<compile_context>
chip_gen: v7x
topology: tpu7x:2x2x1
jax: 0.10.2.dev20260603
libtpu: 0.0.44.dev20260713+nightly
codegen_flags: <defaults>
</compile_context>

<pallas_src>
import functools

import jax
import jax.numpy as jnp
from jax import lax
from jax.experimental import pallas as pl
from jax.experimental.pallas import tpu as pltpu
from jax.experimental.pallas import tpu_sc as plsc

_L = 16
_NC = 2
_NS = 16
_NW = _NC * _NS
_NBUF = 2
_CH = 8
_CB = 256


def _lookup_kernel(bsz, hist, vocab):
    batch_per_w = bsz // _NW
    b_halves = batch_per_w // _CB
    c_blocks = hist // _CH
    n_chunks = c_blocks * b_halves
    assert bsz % _NW == 0 and batch_per_w % _CB == 0 and hist % _CH == 0
    assert n_chunks % _NBUF == 0
    mesh = plsc.VectorSubcoreMesh(core_axis_name="c", subcore_axis_name="s")

    @functools.partial(
        pl.kernel,
        out_type=jax.ShapeDtypeStruct((hist, bsz), jnp.float32),
        mesh=mesh,
        scratch_types=[
            pltpu.VMEM((vocab,), jnp.float32),
            pltpu.VMEM_SHARED((vocab,), jnp.float32),
            pltpu.VMEM((_NBUF, _CH, _CB), jnp.int32),
            pltpu.VMEM((_NBUF, _CH, _CB), jnp.float32),
            pltpu.SemaphoreType.DMA,
            *([pltpu.SemaphoreType.DMA] * _NBUF),
            *([pltpu.SemaphoreType.DMA] * _NBUF),
        ],
        compiler_params=pltpu.CompilerParams(
            needs_layout_passes=False, use_tc_tiling_on_sc=True),
    )
    def k(ids_hbm, w_hbm, out_hbm, table_v, table_sh, idx_v, val_v,
          tbl_sem, *io_sems):
        in_sems = io_sems[:_NBUF]
        out_sems = io_sems[_NBUF:]
        sid = lax.axis_index("s")
        wid = sid * _NC + lax.axis_index("c")
        base_b = wid * batch_per_w

        def chunk_slices(ci):
            c0 = (ci // b_halves) * _CH
            r0 = base_b + (ci % b_halves) * _CB
            return pl.ds(c0, _CH), pl.ds(r0, _CB)

        @pl.when(sid == 0)
        def _stage_table():
            pltpu.sync_copy(w_hbm, table_sh)
        for b in range(_NBUF):
            cs, rs = chunk_slices(b)
            pltpu.async_copy(ids_hbm.at[cs, rs], idx_v.at[b], in_sems[b])
        plsc.subcore_barrier()
        pltpu.async_copy(table_sh, table_v, tbl_sem).wait()

        def outer(g, carry):
            for b in range(_NBUF):
                ci = g * _NBUF + b
                cs, rs = chunk_slices(ci)
                pltpu.make_async_copy(ids_hbm.at[cs, rs],
                                      idx_v.at[b], in_sems[b]).wait()

                @pl.when(g > 0)
                def _wait_prev_out():
                    pcs, prs = chunk_slices(ci - _NBUF)
                    pltpu.make_async_copy(val_v.at[b],
                                          out_hbm.at[pcs, prs],
                                          out_sems[b]).wait()

                @plsc.parallel_loop(0, _CH, step=1, unroll=4)
                def _rows(c):
                    for j in range(_CB // _L):
                        sl = pl.ds(j * _L, _L)
                        ids = idx_v[b, c, sl]
                        val_v[b, c, sl] = plsc.load_gather(table_v, [ids])

                pltpu.async_copy(val_v.at[b], out_hbm.at[cs, rs], out_sems[b])

                @pl.when(ci + _NBUF < n_chunks)
                def _start_next_in():
                    ncs, nrs = chunk_slices(ci + _NBUF)
                    pltpu.async_copy(ids_hbm.at[ncs, nrs],
                                     idx_v.at[b], in_sems[b])
            return carry

        lax.fori_loop(0, n_chunks // _NBUF, outer, 0)
        for b in range(_NBUF):
            lcs, lrs = chunk_slices(n_chunks - _NBUF + b)
            pltpu.make_async_copy(val_v.at[b], out_hbm.at[lcs, lrs],
                                  out_sems[b]).wait()

    return k


def kernel(token_ids, token_weights):
    b, h = token_ids.shape
    vocab = token_weights.shape[0]
    out_t = _lookup_kernel(b, h, vocab)(jnp.transpose(token_ids),
                                        token_weights)
    return jnp.transpose(out_t)

# --- scband reference (transcript-rebuilt; emitter-appended) ---
"""Pipeline reference for scband-vocab-lookup-weighter-57741540327819 (READ-ONLY COPY).

The authoritative reference and input builder live on the scoring server;
editing this copy changes nothing except your own understanding.
"""

import jax, jax.numpy as jnp
import numpy as np

VOCAB = 100000
BATCH = 16384
HIST = 200


def setup_inputs(seed: int = 0) -> dict:
    key = jax.random.key(seed)
    k1, k2 = jax.random.split(key)
    token_ids = jax.random.randint(k1, (BATCH, HIST), 0, VOCAB, dtype=jnp.int32)
    # learned parameter: per-token weight table initialized to init_weight=1.0
    token_weights = jnp.ones((VOCAB,), dtype=jnp.float32) * 1.0
    return {"token_ids": token_ids, "token_weights": token_weights}


def reference(token_ids, token_weights):
    vocab = token_weights.shape[0]
    valid_mask = (token_ids >= 0) & (token_ids < vocab)
    safe_ids = jnp.clip(token_ids, 0, vocab - 1)
    gathered = jnp.take(token_weights, safe_ids, axis=0)
    # weights default to ones; valid positions overwritten with table lookup
    weights = jnp.where(valid_mask, gathered, jnp.ones_like(gathered))
    return weights

if __name__ == "__main__":
    import jax
    _d = setup_inputs()
    print(jax.jit(kernel)(*tuple(_d.values())))

</pallas_src>

<mosaic_0001>
#map = affine_map<(d0, d1) -> (0, 0)>
#map1 = affine_map<(d0, d1) -> (0)>
module attributes {stable_mosaic.version = 14 : i64} {
  func.func @k(%arg0: i32, %arg1: i32, %arg2: memref<200x16384xi32, #tpu.memory_space<hbm>>, %arg3: memref<100000xf32, #tpu.memory_space<hbm>>, %arg4: memref<200x16384xf32, #tpu.memory_space<hbm>>, %arg5: memref<100000xf32, #tpu.memory_space<vmem>>, %arg6: memref<100000xf32, #tpu.memory_space<vmem_shared>>, %arg7: memref<2x8x256xi32, #tpu.memory_space<vmem>>, %arg8: memref<2x8x256xf32, #tpu.memory_space<vmem>>, %arg9: memref<!tpu.dma_semaphore, #tpu.memory_space<semaphore_mem>>, %arg10: memref<!tpu.dma_semaphore, #tpu.memory_space<semaphore_mem>>, %arg11: memref<!tpu.dma_semaphore, #tpu.memory_space<semaphore_mem>>, %arg12: memref<!tpu.dma_semaphore, #tpu.memory_space<semaphore_mem>>, %arg13: memref<!tpu.dma_semaphore, #tpu.memory_space<semaphore_mem>>) attributes {dimension_semantics = [#tpu.dimension_semantics<core_parallel>, #tpu.dimension_semantics<subcore_parallel>], iteration_bounds = array<i64: 2, 16>, scalar_prefetch = 0 : i64, scratch_operands = 9 : i64, tpu.core_type = #tpu.core_type<sc_vector_subcore>, window_params = [{transform_indices = #map}, {transform_indices = #map1}, {transform_indices = #map}]} {
    %mul3A = arith.constant 2 : i32
    %mul3A_0 = arith.muli %arg1, %mul3A : i32
    %add3A = arith.addi %mul3A_0, %arg0 : i32
    %mul3A_1 = arith.constant 512 : i32
    %mul3A_2 = arith.muli %add3A, %mul3A_1 : i32
    %eq3A = arith.constant 0 : i32
    %eq3A_3 = arith.cmpi eq, %arg1, %eq3A : i32
    %convert_element_type3A = arith.extui %eq3A_3 : i1 to i32
    %cond3A = arith.constant 0 : i32
    %cond3A_4 = arith.cmpi ne, %convert_element_type3A, %cond3A : i32
    scf.if %cond3A_4 {
      "tpu.region"() ({
        %run_scoped3A = tpu.sem_alloc : memref<!tpu.dma_semaphore, #tpu.memory_space<semaphore_mem>>
        tpu.enqueue_dma source(%arg3 : memref<100000xf32, #tpu.memory_space<hbm>>) target(%arg6 : memref<100000xf32, #tpu.memory_space<vmem_shared>>) target_semaphore(%run_scoped3A : memref<!tpu.dma_semaphore, #tpu.memory_space<semaphore_mem>>)
        tpu.wait_dma2 semaphore(%run_scoped3A : memref<!tpu.dma_semaphore, #tpu.memory_space<semaphore_mem>>) src(%arg3 : memref<100000xf32, #tpu.memory_space<hbm>>) dst(%arg6 : memref<100000xf32, #tpu.memory_space<vmem_shared>>)
        tpu.yield
      }) : () -> ()
    } else {
    }
    %add3A_5 = arith.constant 0 : i32
    %add3A_6 = arith.addi %mul3A_2, %add3A_5 : i32
    %dma_start3A = arith.constant 0 : i32
    %dma_start3A_7 = arith.constant 0 : i32
    %dma_start3A_8 = arith.constant 0 : i32
    %dma_start3A_9 = tpu.memref_slice %arg7[%dma_start3A, %dma_start3A_7, %dma_start3A_8] : memref<2x8x256xi32, #tpu.memory_space<vmem>> -> memref<1x8x256xi32, #tpu.memory_space<vmem>>
    %dma_start3A_10 = tpu.memref_squeeze %dma_start3A_9 : memref<1x8x256xi32, #tpu.memory_space<vmem>> -> memref<8x256xi32, #tpu.memory_space<vmem>>
    %dma_start3A_11 = arith.constant 0 : i32
    %dma_start3A_12 = tpu.memref_slice %arg2[%dma_start3A_11, %add3A_6] : memref<200x16384xi32, #tpu.memory_space<hbm>> -> memref<8x256xi32, #tpu.memory_space<hbm>>
    %dma_start3A_13 = arith.constant 0 : i32
    %dma_start3A_14 = arith.constant 0 : i32
    %dma_start3A_15 = tpu.memref_slice %arg7[%dma_start3A, %dma_start3A_13, %dma_start3A_14] : memref<2x8x256xi32, #tpu.memory_space<vmem>> -> memref<1x8x256xi32, #tpu.memory_space<vmem>>
    %dma_start3A_16 = tpu.memref_squeeze %dma_start3A_15 : memref<1x8x256xi32, #tpu.memory_space<vmem>> -> memref<8x256xi32, #tpu.memory_space<vmem>>
    %dma_start3A_17 = arith.constant 0 : i32
    %dma_start3A_18 = tpu.memref_slice %arg2[%dma_start3A_17, %add3A_6] : memref<200x16384xi32, #tpu.memory_space<hbm>> -> memref<8x256xi32, #tpu.memory_space<hbm>>
    tpu.enqueue_dma source(%dma_start3A_18 : memref<8x256xi32, #tpu.memory_space<hbm>>) target(%dma_start3A_16 : memref<8x256xi32, #tpu.memory_space<vmem>>) target_semaphore(%arg10 : memref<!tpu.dma_semaphore, #tpu.memory_space<semaphore_mem>>)
    %add3A_19 = arith.constant 256 : i32
    %add3A_20 = arith.addi %mul3A_2, %add3A_19 : i32
    %dma_start3A_21 = arith.constant 1 : i32
    %dma_start3A_22 = arith.constant 0 : i32
    %dma_start3A_23 = arith.constant 0 : i32
    %dma_start3A_24 = tpu.memref_slice %arg7[%dma_start3A_21, %dma_start3A_22, %dma_start3A_23] : memref<2x8x256xi32, #tpu.memory_space<vmem>> -> memref<1x8x256xi32, #tpu.memory_space<vmem>>
    %dma_start3A_25 = tpu.memref_squeeze %dma_start3A_24 : memref<1x8x256xi32, #tpu.memory_space<vmem>> -> memref<8x256xi32, #tpu.memory_space<vmem>>
    %dma_start3A_26 = arith.constant 0 : i32
    %dma_start3A_27 = tpu.memref_slice %arg2[%dma_start3A_26, %add3A_20] : memref<200x16384xi32, #tpu.memory_space<hbm>> -> memref<8x256xi32, #tpu.memory_space<hbm>>
    %dma_start3A_28 = arith.constant 0 : i32
    %dma_start3A_29 = arith.constant 0 : i32
    %dma_start3A_30 = tpu.memref_slice %arg7[%dma_start3A_21, %dma_start3A_28, %dma_start3A_29] : memref<2x8x256xi32, #tpu.memory_space<vmem>> -> memref<1x8x256xi32, #tpu.memory_space<vmem>>
    %dma_start3A_31 = tpu.memref_squeeze %dma_start3A_30 : memref<1x8x256xi32, #tpu.memory_space<vmem>> -> memref<8x256xi32, #tpu.memory_space<vmem>>
    %dma_start3A_32 = arith.constant 0 : i32
    %dma_start3A_33 = tpu.memref_slice %arg2[%dma_start3A_32, %add3A_20] : memref<200x16384xi32, #tpu.memory_space<hbm>> -> memref<8x256xi32, #tpu.memory_space<hbm>>
    tpu.enqueue_dma source(%dma_start3A_33 : memref<8x256xi32, #tpu.memory_space<hbm>>) target(%dma_start3A_31 : memref<8x256xi32, #tpu.memory_space<vmem>>) target_semaphore(%arg11 : memref<!tpu.dma_semaphore, #tpu.memory_space<semaphore_mem>>)
    %barrier3A = arith.constant 0 : index
    tpu.barrier barrier_id(%barrier3A)
    tpu.enqueue_dma source(%arg6 : memref<100000xf32, #tpu.memory_space<vmem_shared>>) target(%arg5 : memref<100000xf32, #tpu.memory_space<vmem>>) target_semaphore(%arg9 : memref<!tpu.dma_semaphore, #tpu.memory_space<semaphore_mem>>)
    tpu.wait_dma2 semaphore(%arg9 : memref<!tpu.dma_semaphore, #tpu.memory_space<semaphore_mem>>) src(%arg6 : memref<100000xf32, #tpu.memory_space<vmem_shared>>) dst(%arg5 : memref<100000xf32, #tpu.memory_space<vmem>>)
    %scan3A = arith.constant 0 : i32
    %scan3A_34 = arith.constant 0 : i32
    %scan3A_35 = arith.constant 25 : i32
    %scan3A_36 = arith.addi %scan3A_34, %scan3A_35 : i32
    %scan3A_37 = arith.constant 1 : i32
    scf.for %scan3A_68 = %scan3A_34 to %scan3A_36 step %scan3A_37  : i32 {
      %mul3A_69 = arith.constant 2 : i32
      %mul3A_70 = arith.muli %scan3A_68, %mul3A_69 : i32
      %add3A_71 = arith.constant 0 : i32
      %add3A_72 = arith.addi %mul3A_70, %add3A_71 : i32
      %jit3A = arith.constant 2 : i32
      %div3A = arith.divsi %add3A_72, %jit3A : i32
      %sign3A = arith.constant 0 : i32
      %sign3A_73 = arith.cmpi sgt, %add3A_72, %sign3A : i32
      %sign3A_74 = arith.extui %sign3A_73 : i1 to i32
      %sign3A_75 = arith.constant 0 : i32
      %sign3A_76 = arith.cmpi slt, %add3A_72, %sign3A_75 : i32
      %sign3A_77 = arith.extui %sign3A_76 : i1 to i32
      %sign3A_78 = arith.subi %sign3A_74, %sign3A_77 : i32
      %sign3A_79 = arith.constant 0 : i32
      %sign3A_80 = arith.cmpi sgt, %jit3A, %sign3A_79 : i32
      %sign3A_81 = arith.extui %sign3A_80 : i1 to i32
      %sign3A_82 = arith.constant 0 : i32
      %sign3A_83 = arith.cmpi slt, %jit3A, %sign3A_82 : i32
      %sign3A_84 = arith.extui %sign3A_83 : i1 to i32
      %sign3A_85 = arith.subi %sign3A_81, %sign3A_84 : i32
      %ne3A = arith.cmpi ne, %sign3A_78, %sign3A_85 : i32
      %rem3A = arith.remsi %add3A_72, %jit3A : i32
      %ne3A_86 = arith.constant 0 : i32
      %ne3A_87 = arith.cmpi ne, %rem3A, %ne3A_86 : i32
      %and3A = arith.andi %ne3A, %ne3A_87 : i1
      %sub3A = arith.constant 1 : i32
      %sub3A_88 = arith.subi %div3A, %sub3A : i32
      %select_n3A = arith.select %and3A, %sub3A_88, %div3A : i32
      %mul3A_89 = arith.constant 8 : i32
      %mul3A_90 = arith.muli %select_n3A, %mul3A_89 : i32
      %jit3A_91 = arith.constant 2 : i32
      %eq3A_92 = arith.constant 0 : i32
      %eq3A_93 = arith.cmpi eq, %jit3A_91, %eq3A_92 : i32
      %jit3A_94 = arith.constant 1 : i32
      %select_n3A_95 = arith.select %eq3A_93, %jit3A_94, %jit3A_91 : i32
      %rem3A_96 = arith.remsi %add3A_72, %select_n3A_95 : i32
      %ne3A_97 = arith.constant 0 : i32
      %ne3A_98 = arith.cmpi ne, %rem3A_96, %ne3A_97 : i32
      %lt3A = arith.constant 0 : i32
      %lt3A_99 = arith.cmpi slt, %rem3A_96, %lt3A : i32
      %lt3A_100 = arith.constant 0 : i32
      %lt3A_101 = arith.cmpi slt, %select_n3A_95, %lt3A_100 : i32
      %ne3A_102 = arith.xori %lt3A_99, %lt3A_101 : i1
      %and3A_103 = arith.andi %ne3A_102, %ne3A_98 : i1
      %add3A_104 = arith.addi %rem3A_96, %select_n3A_95 : i32
      %select_n3A_105 = arith.select %and3A_103, %add3A_104, %rem3A_96 : i32
      %mul3A_106 = arith.constant 256 : i32
      %mul3A_107 = arith.muli %select_n3A_105, %mul3A_106 : i32
      %add3A_108 = arith.addi %mul3A_2, %mul3A_107 : i32
      %dma_wait3A_109 = arith.constant 0 : i32
      %dma_wait3A_110 = arith.constant 0 : i32
      %dma_wait3A_111 = arith.constant 0 : i32
      %dma_wait3A_112 = tpu.memref_slice %arg7[%dma_wait3A_109, %dma_wait3A_110, %dma_wait3A_111] : memref<2x8x256xi32, #tpu.memory_space<vmem>> -> memref<1x8x256xi32, #tpu.memory_space<vmem>>
      %dma_wait3A_113 = tpu.memref_squeeze %dma_wait3A_112 : memref<1x8x256xi32, #tpu.memory_space<vmem>> -> memref<8x256xi32, #tpu.memory_space<vmem>>
      %dma_wait3A_114 = tpu.memref_slice %arg2[%mul3A_90, %add3A_108] : memref<200x16384xi32, #tpu.memory_space<hbm>> -> memref<8x256xi32, #tpu.memory_space<hbm>>
      %dma_wait3A_115 = arith.constant 0 : i32
      %dma_wait3A_116 = arith.constant 0 : i32
      %dma_wait3A_117 = tpu.memref_slice %arg7[%dma_wait3A_109, %dma_wait3A_115, %dma_wait3A_116] : memref<2x8x256xi32, #tpu.memory_space<vmem>> -> memref<1x8x256xi32, #tpu.memory_space<vmem>>
      %dma_wait3A_118 = tpu.memref_squeeze %dma_wait3A_117 : memref<1x8x256xi32, #tpu.memory_space<vmem>> -> memref<8x256xi32, #tpu.memory_space<vmem>>
      %dma_wait3A_119 = tpu.memref_slice %arg2[%mul3A_90, %add3A_108] : memref<200x16384xi32, #tpu.memory_space<hbm>> -> memref<8x256xi32, #tpu.memory_space<hbm>>
      tpu.wait_dma2 semaphore(%arg10 : memref<!tpu.dma_semaphore, #tpu.memory_space<semaphore_mem>>) src(%dma_wait3A_119 : memref<8x256xi32, #tpu.memory_space<hbm>>) dst(%dma_wait3A_118 : memref<8x256xi32, #tpu.memory_space<vmem>>)
      %gt3A = arith.constant 0 : i32
      %gt3A_120 = arith.cmpi sgt, %scan3A_68, %gt3A : i32
      %convert_element_type3A_121 = arith.extui %gt3A_120 : i1 to i32
      %cond3A_122 = arith.constant 0 : i32
      %cond3A_123 = arith.cmpi ne, %convert_element_type3A_121, %cond3A_122 : i32
      scf.if %cond3A_123 {
        %sub3A_230 = arith.constant 2 : i32
        %sub3A_231 = arith.subi %add3A_72, %sub3A_230 : i32
        %jit3A_232 = arith.constant 2 : i32
        %div3A_233 = arith.divsi %sub3A_231, %jit3A_232 : i32
        %sign3A_234 = arith.constant 0 : i32
        %sign3A_235 = arith.cmpi sgt, %sub3A_231, %sign3A_234 : i32
        %sign3A_236 = arith.extui %sign3A_235 : i1 to i32
        %sign3A_237 = arith.constant 0 : i32
        %sign3A_238 = arith.cmpi slt, %sub3A_231, %sign3A_237 : i32
        %sign3A_239 = arith.extui %sign3A_238 : i1 to i32
        %sign3A_240 = arith.subi %sign3A_236, %sign3A_239 : i32
        %sign3A_241 = arith.constant 0 : i32
        %sign3A_242 = arith.cmpi sgt, %jit3A_232, %sign3A_241 : i32
        %sign3A_243 = arith.extui %sign3A_242 : i1 to i32
        %sign3A_244 = arith.constant 0 : i32
        %sign3A_245 = arith.cmpi slt, %jit3A_232, %sign3A_244 : i32
        %sign3A_246 = arith.extui %sign3A_245 : i1 to i32
        %sign3A_247 = arith.subi %sign3A_243, %sign3A_246 : i32
        %ne3A_248 = arith.cmpi ne, %sign3A_240, %sign3A_247 : i32
        %rem3A_249 = arith.remsi %sub3A_231, %jit3A_232 : i32
        %ne3A_250 = arith.constant 0 : i32
        %ne3A_251 = arith.cmpi ne, %rem3A_249, %ne3A_250 : i32
        %and3A_252 = arith.andi %ne3A_248, %ne3A_251 : i1
        %sub3A_253 = arith.constant 1 : i32
        %sub3A_254 = arith.subi %div3A_233, %sub3A_253 : i32
        %select_n3A_255 = arith.select %and3A_252, %sub3A_254, %div3A_233 : i32
        %mul3A_256 = arith.constant 8 : i32
        %mul3A_257 = arith.muli %select_n3A_255, %mul3A_256 : i32
        %jit3A_258 = arith.constant 2 : i32
        %eq3A_259 = arith.constant 0 : i32
        %eq3A_260 = arith.cmpi eq, %jit3A_258, %eq3A_259 : i32
        %jit3A_261 = arith.constant 1 : i32
        %select_n3A_262 = arith.select %eq3A_260, %jit3A_261, %jit3A_258 : i32
        %rem3A_263 = arith.remsi %sub3A_231, %select_n3A_262 : i32
        %ne3A_264 = arith.constant 0 : i32
        %ne3A_265 = arith.cmpi ne, %rem3A_263, %ne3A_264 : i32
        %lt3A_266 = arith.constant 0 : i32
        %lt3A_267 = arith.cmpi slt, %rem3A_263, %lt3A_266 : i32
        %lt3A_268 = arith.constant 0 : i32
        %lt3A_269 = arith.cmpi slt, %select_n3A_262, %lt3A_268 : i32
        %ne3A_270 = arith.xori %lt3A_267, %lt3A_269 : i1
        %and3A_271 = arith.andi %ne3A_270, %ne3A_265 : i1
        %add3A_272 = arith.addi %rem3A_263, %select_n3A_262 : i32
        %select_n3A_273 = arith.select %and3A_271, %add3A_272, %rem3A_263 : i32
        %mul3A_274 = arith.constant 256 : i32
        %mul3A_275 = arith.muli %select_n3A_273, %mul3A_274 : i32
        %add3A_276 = arith.addi %mul3A_2, %mul3A_275 : i32
        %dma_wait3A_277 = arith.constant 0 : i32
        %dma_wait3A_278 = arith.constant 0 : i32
        %dma_wait3A_279 = arith.constant 0 : i32
        %dma_wait3A_280 = tpu.memref_slice %arg8[%dma_wait3A_277, %dma_wait3A_278, %dma_wait3A_279] : memref<2x8x256xf32, #tpu.memory_space<vmem>> -> memref<1x8x256xf32, #tpu.memory_space<vmem>>
        %dma_wait3A_281 = tpu.memref_squeeze %dma_wait3A_280 : memref<1x8x256xf32, #tpu.memory_space<vmem>> -> memref<8x256xf32, #tpu.memory_space<vmem>>
        %dma_wait3A_282 = tpu.memref_slice %arg4[%mul3A_257, %add3A_276] : memref<200x16384xf32, #tpu.memory_space<hbm>> -> memref<8x256xf32, #tpu.memory_space<hbm>>
        %dma_wait3A_283 = tpu.memref_slice %arg4[%mul3A_257, %add3A_276] : memref<200x16384xf32, #tpu.memory_space<hbm>> -> memref<8x256xf32, #tpu.memory_space<hbm>>
        %dma_wait3A_284 = arith.constant 0 : i32
        %dma_wait3A_285 = arith.constant 0 : i32
        %dma_wait3A_286 = tpu.memref_slice %arg8[%dma_wait3A_277, %dma_wait3A_284, %dma_wait3A_285] : memref<2x8x256xf32, #tpu.memory_space<vmem>> -> memref<1x8x256xf32, #tpu.memory_space<vmem>>
        %dma_wait3A_287 = tpu.memref_squeeze %dma_wait3A_286 : memref<1x8x256xf32, #tpu.memory_space<vmem>> -> memref<8x256xf32, #tpu.memory_space<vmem>>
        tpu.wait_dma2 semaphore(%arg12 : memref<!tpu.dma_semaphore, #tpu.memory_space<semaphore_mem>>) src(%dma_wait3A_287 : memref<8x256xf32, #tpu.memory_space<vmem>>) dst(%dma_wait3A_283 : memref<8x256xf32, #tpu.memory_space<hbm>>)
      } else {
      }
      %parallel_loop3A = arith.constant 0 : i32
      %parallel_loop3A_124 = arith.constant 8 : i32
      %parallel_loop3A_125 = arith.constant 1 : i32
      scf.for %parallel_loop3A_230 = %parallel_loop3A to %parallel_loop3A_124 step %parallel_loop3A_125  : i32 {
        %parallel_loop3A_231 = arith.constant 0 : i32
        %parallel_loop3A_232 = arith.index_cast %parallel_loop3A_231 : i32 to index
        %parallel_loop3A_233 = arith.index_cast %parallel_loop3A_230 : i32 to index
        %parallel_loop3A_234 = arith.constant 0 : index
        %parallel_loop3A_235 = tpu.vector_load %arg7[%parallel_loop3A_232, %parallel_loop3A_233, %parallel_loop3A_234] {strides = array<i32>} : memref<2x8x256xi32, #tpu.memory_space<vmem>>, vector<16xi32>,
        %parallel_loop3A_236 = tpu.vector_load_idx %arg5[%parallel_loop3A_235] : memref<100000xf32, #tpu.memory_space<vmem>>[vector<16xi32>], vector<16xf32>,
        %parallel_loop3A_237 = arith.constant 0 : i32
        %parallel_loop3A_238 = arith.index_cast %parallel_loop3A_237 : i32 to index
        %parallel_loop3A_239 = arith.index_cast %parallel_loop3A_230 : i32 to index
        %parallel_loop3A_240 = arith.constant 0 : index
        %parallel_loop3A_241 = tpu.vector_load %arg8[%parallel_loop3A_238, %parallel_loop3A_239, %parallel_loop3A_240] {strides = array<i32>} : memref<2x8x256xf32, #tpu.memory_space<vmem>>, vector<16xf32>,
        tpu.vector_store %arg8[%parallel_loop3A_238, %parallel_loop3A_239, %parallel_loop3A_240], %parallel_loop3A_236 {strides = array<i32>} : memref<2x8x256xf32, #tpu.memory_space<vmem>>, vector<16xf32>,
        %parallel_loop3A_242 = arith.constant 0 : i32
        %parallel_loop3A_243 = arith.index_cast %parallel_loop3A_242 : i32 to index
        %parallel_loop3A_244 = arith.index_cast %parallel_loop3A_230 : i32 to index
        %parallel_loop3A_245 = arith.constant 16 : index
        %parallel_loop3A_246 = tpu.vector_load %arg7[%parallel_loop3A_243, %parallel_loop3A_244, %parallel_loop3A_245] {strides = array<i32>} : memref<2x8x256xi32, #tpu.memory_space<vmem>>, vector<16xi32>,
        %parallel_loop3A_247 = tpu.vector_load_idx %arg5[%parallel_loop3A_246] : memref<100000xf32, #tpu.memory_space<vmem>>[vector<16xi32>], vector<16xf32>,
        %parallel_loop3A_248 = arith.constant 0 : i32
        %parallel_loop3A_249 = arith.index_cast %parallel_loop3A_248 : i32 to index
        %parallel_loop3A_250 = arith.index_cast %parallel_loop3A_230 : i32 to index
        %parallel_loop3A_251 = arith.constant 16 : index
        %parallel_loop3A_252 = tpu.vector_load %arg8[%parallel_loop3A_249, %parallel_loop3A_250, %parallel_loop3A_251] {strides = array<i32>} : memref<2x8x256xf32, #tpu.memory_space<vmem>>, vector<16xf32>,
        tpu.vector_store %arg8[%parallel_loop3A_249, %parallel_loop3A_250, %parallel_loop3A_251], %parallel_loop3A_247 {strides = array<i32>} : memref<2x8x256xf32, #tpu.memory_space<vmem>>, vector<16xf32>,
        %parallel_loop3A_253 = arith.constant 0 : i32
        %parallel_loop3A_254 = arith.index_cast %parallel_loop3A_253 : i32 to index
        %parallel_loop3A_255 = arith.index_cast %parallel_loop3A_230 : i32 to index
        %parallel_loop3A_256 = arith.constant 32 : index
        %parallel_loop3A_257 = tpu.vector_load %arg7[%parallel_loop3A_254, %parallel_loop3A_255, %parallel_loop3A_256] {strides = array<i32>} : memref<2x8x256xi32, #tpu.memory_space<vmem>>, vector<16xi32>,
        %parallel_loop3A_258 = tpu.vector_load_idx %arg5[%parallel_loop3A_257] : memref<100000xf32, #tpu.memory_space<vmem>>[vector<16xi32>], vector<16xf32>,
        %parallel_loop3A_259 = arith.constant 0 : i32
        %parallel_loop3A_260 = arith.index_cast %parallel_loop3A_259 : i32 to index
        %parallel_loop3A_261 = arith.index_cast %parallel_loop3A_230 : i32 to index
        %parallel_loop3A_262 = arith.constant 32 : index
        %parallel_loop3A_263 = tpu.vector_load %arg8[%parallel_loop3A_260, %parallel_loop3A_261, %parallel_loop3A_262] {strides = array<i32>} : memref<2x8x256xf32, #tpu.memory_space<vmem>>, vector<16xf32>,
        tpu.vector_store %arg8[%parallel_loop3A_260, %parallel_loop3A_261, %parallel_loop3A_262], %parallel_loop3A_258 {strides = array<i32>} : memref<2x8x256xf32, #tpu.memory_space<vmem>>, vector<16xf32>,
        %parallel_loop3A_264 = arith.constant 0 : i32
        %parallel_loop3A_265 = arith.index_cast %parallel_loop3A_264 : i32 to index
        %parallel_loop3A_266 = arith.index_cast %parallel_loop3A_230 : i32 to index
        %parallel_loop3A_267 = arith.constant 48 : index
        %parallel_loop3A_268 = tpu.vector_load %arg7[%parallel_loop3A_265, %parallel_loop3A_266, %parallel_loop3A_267] {strides = array<i32>} : memref<2x8x256xi32, #tpu.memory_space<vmem>>, vector<16xi32>,
        %parallel_loop3A_269 = tpu.vector_load_idx %arg5[%parallel_loop3A_268] : memref<100000xf32, #tpu.memory_space<vmem>>[vector<16xi32>], vector<16xf32>,
        %parallel_loop3A_270 = arith.constant 0 : i32
        %parallel_loop3A_271 = arith.index_cast %parallel_loop3A_270 : i32 to index
        %parallel_loop3A_272 = arith.index_cast %parallel_loop3A_230 : i32 to index
        %parallel_loop3A_273 = arith.constant 48 : index
        %parallel_loop3A_274 = tpu.vector_load %arg8[%parallel_loop3A_271, %parallel_loop3A_272, %parallel_loop3A_273] {strides = array<i32>} : memref<2x8x256xf32, #tpu.memory_space<vmem>>, vector<16xf32>,
        tpu.vector_store %arg8[%parallel_loop3A_271, %parallel_loop3A_272, %parallel_loop3A_273], %parallel_loop3A_269 {strides = array<i32>} : memref<2x8x256xf32, #tpu.memory_space<vmem>>, vector<16xf32>,
        %parallel_loop3A_275 = arith.constant 0 : i32
        %parallel_loop3A_276 = arith.index_cast %parallel_loop3A_275 : i32 to index
        %parallel_loop3A_277 = arith.index_cast %parallel_loop3A_230 : i32 to index
        %parallel_loop3A_278 = arith.constant 64 : index
        %parallel_loop3A_279 = tpu.vector_load %arg7[%parallel_loop3A_276, %parallel_loop3A_277, %parallel_loop3A_278] {strides = array<i32>} : memref<2x8x256xi32, #tpu.memory_space<vmem>>, vector<16xi32>,
        %parallel_loop3A_280 = tpu.vector_load_idx %arg5[%parallel_loop3A_279] : memref<100000xf32, #tpu.memory_space<vmem>>[vector<16xi32>], vector<16xf32>,
        %parallel_loop3A_281 = arith.constant 0 : i32
        %parallel_loop3A_282 = arith.index_cast %parallel_loop3A_281 : i32 to index
        %parallel_loop3A_283 = arith.index_cast %parallel_loop3A_230 : i32 to index
        %parallel_loop3A_284 = arith.constant 64 : index
        %parallel_loop3A_285 = tpu.vector_load %arg8[%parallel_loop3A_282, %parallel_loop3A_283, %parallel_loop3A_284] {strides = array<i32>} : memref<2x8x256xf32, #tpu.memory_space<vmem>>, vector<16xf32>,
        tpu.vector_store %arg8[%parallel_loop3A_282, %parallel_loop3A_283, %parallel_loop3A_284], %parallel_loop3A_280 {strides = array<i32>} : memref<2x8x256xf32, #tpu.memory_space<vmem>>, vector<16xf32>,
        %parallel_loop3A_286 = arith.constant 0 : i32
        %parallel_loop3A_287 = arith.index_cast %parallel_loop3A_286 : i32 to index
        %parallel_loop3A_288 = arith.index_cast %parallel_loop3A_230 : i32 to index
        %parallel_loop3A_289 = arith.constant 80 : index
        %parallel_loop3A_290 = tpu.vector_load %arg7[%parallel_loop3A_287, %parallel_loop3A_288, %parallel_loop3A_289] {strides = array<i32>} : memref<2x8x256xi32, #tpu.memory_space<vmem>>, vector<16xi32>,
        %parallel_loop3A_291 = tpu.vector_load_idx %arg5[%parallel_loop3A_290] : memref<100000xf32, #tpu.memory_space<vmem>>[vector<16xi32>], vector<16xf32>,
        %parallel_loop3A_292 = arith.constant 0 : i32
        %parallel_loop3A_293 = arith.index_cast %parallel_loop3A_292 : i32 to index
        %parallel_loop3A_294 = arith.index_cast %parallel_loop3A_230 : i32 to index
        %parallel_loop3A_295 = arith.constant 80 : index
        %parallel_loop3A_296 = tpu.vector_load %arg8[%parallel_loop3A_293, %parallel_loop3A_294, %parallel_loop3A_295] {strides = array<i32>} : memref<2x8x256xf32, #tpu.memory_space<vmem>>, vector<16xf32>,
        tpu.vector_store %arg8[%parallel_loop3A_293, %parallel_loop3A_294, %parallel_loop3A_295], %parallel_loop3A_291 {strides = array<i32>} : memref<2x8x256xf32, #tpu.memory_space<vmem>>, vector<16xf32>,
        %parallel_loop3A_297 = arith.constant 0 : i32
        %parallel_loop3A_298 = arith.index_cast %parallel_loop3A_297 : i32 to index
        %parallel_loop3A_299 = arith.index_cast %parallel_loop3A_230 : i32 to index
        %parallel_loop3A_300 = arith.constant 96 : index
        %parallel_loop3A_301 = tpu.vector_load %arg7[%parallel_loop3A_298, %parallel_loop3A_299, %parallel_loop3A_300] {strides = array<i32>} : memref<2x8x256xi32, #tpu.memory_space<vmem>>, vector<16xi32>,
        %parallel_loop3A_302 = tpu.vector_load_idx %arg5[%parallel_loop3A_301] : memref<100000xf32, #tpu.memory_space<vmem>>[vector<16xi32>], vector<16xf32>,
        %parallel_loop3A_303 = arith.constant 0 : i32
        %parallel_loop3A_304 = arith.index_cast %parallel_loop3A_303 : i32 to index
        %parallel_loop3A_305 = arith.index_cast %parallel_loop3A_230 : i32 to index
        %parallel_loop3A_306 = arith.constant 96 : index
        %parallel_loop3A_307 = tpu.vector_load %arg8[%parallel_loop3A_304, %parallel_loop3A_305, %parallel_loop3A_306] {strides = array<i32>} : memref<2x8x256xf32, #tpu.memory_space<vmem>>, vector<16xf32>,
        tpu.vector_store %arg8[%parallel_loop3A_304, %parallel_loop3A_305, %parallel_loop3A_306], %parallel_loop3A_302 {strides = array<i32>} : memref<2x8x256xf32, #tpu.memory_space<vmem>>, vector<16xf32>,
        %parallel_loop3A_308 = arith.constant 0 : i32
        %parallel_loop3A_309 = arith.index_cast %parallel_loop3A_308 : i32 to index
        %parallel_loop3A_310 = arith.index_cast %parallel_loop3A_230 : i32 to index
        %parallel_loop3A_311 = arith.constant 112 : index
        %parallel_loop3A_312 = tpu.vector_load %arg7[%parallel_loop3A_309, %parallel_loop3A_310, %parallel_loop3A_311] {strides = array<i32>} : memref<2x8x256xi32, #tpu.memory_space<vmem>>, vector<16xi32>,
        %parallel_loop3A_313 = tpu.vector_load_idx %arg5[%parallel_loop3A_312] : memref<100000xf32, #tpu.memory_space<vmem>>[vector<16xi32>], vector<16xf32>,
        %parallel_loop3A_314 = arith.constant 0 : i32
        %parallel_loop3A_315 = arith.index_cast %parallel_loop3A_314 : i32 to index
        %parallel_loop3A_316 = arith.index_cast %parallel_loop3A_230 : i32 to index
        %parallel_loop3A_317 = arith.constant 112 : index
        %parallel_loop3A_318 = tpu.vector_load %arg8[%parallel_loop3A_315, %parallel_loop3A_316, %parallel_loop3A_317] {strides = array<i32>} : memref<2x8x256xf32, #tpu.memory_space<vmem>>, vector<16xf32>,
        tpu.vector_store %arg8[%parallel_loop3A_315, %parallel_loop3A_316, %parallel_loop3A_317], %parallel_loop3A_313 {strides = array<i32>} : memref<2x8x256xf32, #tpu.memory_space<vmem>>, vector<16xf32>,
        %parallel_loop3A_319 = arith.constant 0 : i32
        %parallel_loop3A_320 = arith.index_cast %parallel_loop3A_319 : i32 to index
        %parallel_loop3A_321 = arith.index_cast %parallel_loop3A_230 : i32 to index
        %parallel_loop3A_322 = arith.constant 128 : index
        %parallel_loop3A_323 = tpu.vector_load %arg7[%parallel_loop3A_320, %parallel_loop3A_321, %parallel_loop3A_322] {strides = array<i32>} : memref<2x8x256xi32, #tpu.memory_space<vmem>>, vector<16xi32>,
        %parallel_loop3A_324 = tpu.vector_load_idx %arg5[%parallel_loop3A_323] : memref<100000xf32, #tpu.memory_space<vmem>>[vector<16xi32>], vector<16xf32>,
        %parallel_loop3A_325 = arith.constant 0 : i32
        %parallel_loop3A_326 = arith.index_cast %parallel_loop3A_325 : i32 to index
        %parallel_loop3A_327 = arith.index_cast %parallel_loop3A_230 : i32 to index
        %parallel_loop3A_328 = arith.constant 128 : index
        %parallel_loop3A_329 = tpu.vector_load %arg8[%parallel_loop3A_326, %parallel_loop3A_327, %parallel_loop3A_328] {strides = array<i32>} : memref<2x8x256xf32, #tpu.memory_space<vmem>>, vector<16xf32>,
        tpu.vector_store %arg8[%parallel_loop3A_326, %parallel_loop3A_327, %parallel_loop3A_328], %parallel_loop3A_324 {strides = array<i32>} : memref<2x8x256xf32, #tpu.memory_space<vmem>>, vector<16xf32>,
        %parallel_loop3A_330 = arith.constant 0 : i32
        %parallel_loop3A_331 = arith.index_cast %parallel_loop3A_330 : i32 to index
        %parallel_loop3A_332 = arith.index_cast %parallel_loop3A_230 : i32 to index
        %parallel_loop3A_333 = arith.constant 144 : index
        %parallel_loop3A_334 = tpu.vector_load %arg7[%parallel_loop3A_331, %parallel_loop3A_332, %parallel_loop3A_333] {strides = array<i32>} : memref<2x8x256xi32, #tpu.memory_space<vmem>>, vector<16xi32>,
        %parallel_loop3A_335 = tpu.vector_load_idx %arg5[%parallel_loop3A_334] : memref<100000xf32, #tpu.memory_space<vmem>>[vector<16xi32>], vector<16xf32>,
        %parallel_loop3A_336 = arith.constant 0 : i32
        %parallel_loop3A_337 = arith.index_cast %parallel_loop3A_336 : i32 to index
        %parallel_loop3A_338 = arith.index_cast %parallel_loop3A_230 : i32 to index
        %parallel_loop3A_339 = arith.constant 144 : index
        %parallel_loop3A_340 = tpu.vector_load %arg8[%parallel_loop3A_337, %parallel_loop3A_338, %parallel_loop3A_339] {strides = array<i32>} : memref<2x8x256xf32, #tpu.memory_space<vmem>>, vector<16xf32>,
        tpu.vector_store %arg8[%parallel_loop3A_337, %parallel_loop3A_338, %parallel_loop3A_339], %parallel_loop3A_335 {strides = array<i32>} : memref<2x8x256xf32, #tpu.memory_space<vmem>>, vector<16xf32>,
        %parallel_loop3A_341 = arith.constant 0 : i32
        %parallel_loop3A_342 = arith.index_cast %parallel_loop3A_341 : i32 to index
        %parallel_loop3A_343 = arith.index_cast %parallel_loop3A_230 : i32 to index
        %parallel_loop3A_344 = arith.constant 160 : index
        %parallel_loop3A_345 = tpu.vector_load %arg7[%parallel_loop3A_342, %parallel_loop3A_343, %parallel_loop3A_344] {strides = array<i32>} : memref<2x8x256xi32, #tpu.memory_space<vmem>>, vector<16xi32>,
        %parallel_loop3A_346 = tpu.vector_load_idx %arg5[%parallel_loop3A_345] : memref<100000xf32, #tpu.memory_space<vmem>>[vector<16xi32>], vector<16xf32>,
        %parallel_loop3A_347 = arith.constant 0 : i32
        %parallel_loop3A_348 = arith.index_cast %parallel_loop3A_347 : i32 to index
        %parallel_loop3A_349 = arith.index_cast %parallel_loop3A_230 : i32 to index
        %parallel_loop3A_350 = arith.constant 160 : index
        %parallel_loop3A_351 = tpu.vector_load %arg8[%parallel_loop3A_348, %parallel_loop3A_349, %parallel_loop3A_350] {strides = array<i32>} : memref<2x8x256xf32, #tpu.memory_space<vmem>>, vector<16xf32>,
        tpu.vector_store %arg8[%parallel_loop3A_348, %parallel_loop3A_349, %parallel_loop3A_350], %parallel_loop3A_346 {strides = array<i32>} : memref<2x8x256xf32, #tpu.memory_space<vmem>>, vector<16xf32>,
        %parallel_loop3A_352 = arith.constant 0 : i32
        %parallel_loop3A_353 = arith.index_cast %parallel_loop3A_352 : i32 to index
        %parallel_loop3A_354 = arith.index_cast %parallel_loop3A_230 : i32 to index
        %parallel_loop3A_355 = arith.constant 176 : index
        %parallel_loop3A_356 = tpu.vector_load %arg7[%parallel_loop3A_353, %parallel_loop3A_354, %parallel_loop3A_355] {strides = array<i32>} : memref<2x8x256xi32, #tpu.memory_space<vmem>>, vector<16xi32>,
        %parallel_loop3A_357 = tpu.vector_load_idx %arg5[%parallel_loop3A_356] : memref<100000xf32, #tpu.memory_space<vmem>>[vector<16xi32>], vector<16xf32>,
        %parallel_loop3A_358 = arith.constant 0 : i32
        %parallel_loop3A_359 = arith.index_cast %parallel_loop3A_358 : i32 to index
        %parallel_loop3A_360 = arith.index_cast %parallel_loop3A_230 : i32 to index
        %parallel_loop3A_361 = arith.constant 176 : index
        %parallel_loop3A_362 = tpu.vector_load %arg8[%parallel_loop3A_359, %parallel_loop3A_360, %parallel_loop3A_361] {strides = array<i32>} : memref<2x8x256xf32, #tpu.memory_space<vmem>>, vector<16xf32>,
        tpu.vector_store %arg8[%parallel_loop3A_359, %parallel_loop3A_360, %parallel_loop3A_361], %parallel_loop3A_357 {strides = array<i32>} : memref<2x8x256xf32, #tpu.memory_space<vmem>>, vector<16xf32>,
        %parallel_loop3A_363 = arith.constant 0 : i32
        %parallel_loop3A_364 = arith.index_cast %parallel_loop3A_363 : i32 to index
        %parallel_loop3A_365 = arith.index_cast %parallel_loop3A_230 : i32 to index
        %parallel_loop3A_366 = arith.constant 192 : index
        %parallel_loop3A_367 = tpu.vector_load %arg7[%parallel_loop3A_364, %parallel_loop3A_365, %parallel_loop3A_366] {strides = array<i32>} : memref<2x8x256xi32, #tpu.memory_space<vmem>>, vector<16xi32>,
        %parallel_loop3A_368 = tpu.vector_load_idx %arg5[%parallel_loop3A_367] : memref<100000xf32, #tpu.memory_space<vmem>>[vector<16xi32>], vector<16xf32>,
        %parallel_loop3A_369 = arith.constant 0 : i32
        %parallel_loop3A_370 = arith.index_cast %parallel_loop3A_369 : i32 to index
        %parallel_loop3A_371 = arith.index_cast %parallel_loop3A_230 : i32 to index
        %parallel_loop3A_372 = arith.constant 192 : index
        %parallel_loop3A_373 = tpu.vector_load %arg8[%parallel_loop3A_370, %parallel_loop3A_371, %parallel_loop3A_372] {strides = array<i32>} : memref<2x8x256xf32, #tpu.memory_space<vmem>>, vector<16xf32>,
        tpu.vector_store %arg8[%parallel_loop3A_370, %parallel_loop3A_371, %parallel_loop3A_372], %parallel_loop3A_368 {strides = array<i32>} : memref<2x8x256xf32, #tpu.memory_space<vmem>>, vector<16xf32>,
        %parallel_loop3A_374 = arith.constant 0 : i32
        %parallel_loop3A_375 = arith.index_cast %parallel_loop3A_374 : i32 to index
        %parallel_loop3A_376 = arith.index_cast %parallel_loop3A_230 : i32 to index
        %parallel_loop3A_377 = arith.constant 208 : index
        %parallel_loop3A_378 = tpu.vector_load %arg7[%parallel_loop3A_375, %parallel_loop3A_376, %parallel_loop3A_377] {strides = array<i32>} : memref<2x8x256xi32, #tpu.memory_space<vmem>>, vector<16xi32>,
        %parallel_loop3A_379 = tpu.vector_load_idx %arg5[%parallel_loop3A_378] : memref<100000xf32, #tpu.memory_space<vmem>>[vector<16xi32>], vector<16xf32>,
        %parallel_loop3A_380 = arith.constant 0 : i32
        %parallel_loop3A_381 = arith.index_cast %parallel_loop3A_380 : i32 to index
        %parallel_loop3A_382 = arith.index_cast %parallel_loop3A_230 : i32 to index
        %parallel_loop3A_383 = arith.constant 208 : index
        %parallel_loop3A_384 = tpu.vector_load %arg8[%parallel_loop3A_381, %parallel_loop3A_382, %parallel_loop3A_383] {strides = array<i32>} : memref<2x8x256xf32, #tpu.memory_space<vmem>>, vector<16xf32>,
        tpu.vector_store %arg8[%parallel_loop3A_381, %parallel_loop3A_382, %parallel_loop3A_383], %parallel_loop3A_379 {strides = array<i32>} : memref<2x8x256xf32, #tpu.memory_space<vmem>>, vector<16xf32>,
        %parallel_loop3A_385 = arith.constant 0 : i32
        %parallel_loop3A_386 = arith.index_cast %parallel_loop3A_385 : i32 to index
        %parallel_loop3A_387 = arith.index_cast %parallel_loop3A_230 : i32 to index
        %parallel_loop3A_388 = arith.constant 224 : index
        %parallel_loop3A_389 = tpu.vector_load %arg7[%parallel_loop3A_386, %parallel_loop3A_387, %parallel_loop3A_388] {strides = array<i32>} : memref<2x8x256xi32, #tpu.memory_space<vmem>>, vector<16xi32>,
        %parallel_loop3A_390 = tpu.vector_load_idx %arg5[%parallel_loop3A_389] : memref<100000xf32, #tpu.memory_space<vmem>>[vector<16xi32>], vector<16xf32>,
        %parallel_loop3A_391 = arith.constant 0 : i32
        %parallel_loop3A_392 = arith.index_cast %parallel_loop3A_391 : i32 to index
        %parallel_loop3A_393 = arith.index_cast %parallel_loop3A_230 : i32 to index
        %parallel_loop3A_394 = arith.constant 224 : index
        %parallel_loop3A_395 = tpu.vector_load %arg8[%parallel_loop3A_392, %parallel_loop3A_393, %parallel_loop3A_394] {strides = array<i32>} : memref<2x8x256xf32, #tpu.memory_space<vmem>>, vector<16xf32>,
        tpu.vector_store %arg8[%parallel_loop3A_392, %parallel_loop3A_393, %parallel_loop3A_394], %parallel_loop3A_390 {strides = array<i32>} : memref<2x8x256xf32, #tpu.memory_space<vmem>>, vector<16xf32>,
        %parallel_loop3A_396 = arith.constant 0 : i32
        %parallel_loop3A_397 = arith.index_cast %parallel_loop3A_396 : i32 to index
        %parallel_loop3A_398 = arith.index_cast %parallel_loop3A_230 : i32 to index
        %parallel_loop3A_399 = arith.constant 240 : index
        %parallel_loop3A_400 = tpu.vector_load %arg7[%parallel_loop3A_397, %parallel_loop3A_398, %parallel_loop3A_399] {strides = array<i32>} : memref<2x8x256xi32, #tpu.memory_space<vmem>>, vector<16xi32>,
        %parallel_loop3A_401 = tpu.vector_load_idx %arg5[%parallel_loop3A_400] : memref<100000xf32, #tpu.memory_space<vmem>>[vector<16xi32>], vector<16xf32>,
        %parallel_loop3A_402 = arith.constant 0 : i32
        %parallel_loop3A_403 = arith.index_cast %parallel_loop3A_402 : i32 to index
        %parallel_loop3A_404 = arith.index_cast %parallel_loop3A_230 : i32 to index
        %parallel_loop3A_405 = arith.constant 240 : index
        %parallel_loop3A_406 = tpu.vector_load %arg8[%parallel_loop3A_403, %parallel_loop3A_404, %parallel_loop3A_405] {strides = array<i32>} : memref<2x8x256xf32, #tpu.memory_space<vmem>>, vector<16xf32>,
        tpu.vector_store %arg8[%parallel_loop3A_403, %parallel_loop3A_404, %parallel_loop3A_405], %parallel_loop3A_401 {strides = array<i32>} : memref<2x8x256xf32, #tpu.memory_space<vmem>>, vector<16xf32>,
      } {sc.loop_unroll_factor = 4 : i64, sc.parallel_access}
      %dma_start3A_126 = arith.constant 0 : i32
      %dma_start3A_127 = arith.constant 0 : i32
      %dma_start3A_128 = arith.constant 0 : i32
      %dma_start3A_129 = tpu.memref_slice %arg8[%dma_start3A_126, %dma_start3A_127, %dma_start3A_128] : memref<2x8x256xf32, #tpu.memory_space<vmem>> -> memref<1x8x256xf32, #tpu.memory_space<vmem>>
      %dma_start3A_130 = tpu.memref_squeeze %dma_start3A_129 : memref<1x8x256xf32, #tpu.memory_space<vmem>> -> memref<8x256xf32, #tpu.memory_space<vmem>>
      %dma_start3A_131 = tpu.memref_slice %arg4[%mul3A_90, %add3A_108] : memref<200x16384xf32, #tpu.memory_space<hbm>> -> memref<8x256xf32, #tpu.memory_space<hbm>>
      %dma_start3A_132 = tpu.memref_slice %arg4[%mul3A_90, %add3A_108] : memref<200x16384xf32, #tpu.memory_space<hbm>> -> memref<8x256xf32, #tpu.memory_space<hbm>>
      %dma_start3A_133 = arith.constant 0 : i32
      %dma_start3A_134 = arith.constant 0 : i32
      %dma_start3A_135 = tpu.memref_slice %arg8[%dma_start3A_126, %dma_start3A_133, %dma_start3A_134] : memref<2x8x256xf32, #tpu.memory_space<vmem>> -> memref<1x8x256xf32, #tpu.memory_space<vmem>>
      %dma_start3A_136 = tpu.memref_squeeze %dma_start3A_135 : memref<1x8x256xf32, #tpu.memory_space<vmem>> -> memref<8x256xf32, #tpu.memory_space<vmem>>
      tpu.enqueue_dma source(%dma_start3A_136 : memref<8x256xf32, #tpu.memory_space<vmem>>) target(%dma_start3A_132 : memref<8x256xf32, #tpu.memory_space<hbm>>) target_semaphore(%arg12 : memref<!tpu.dma_semaphore, #tpu.memory_space<semaphore_mem>>)
      %add3A_137 = arith.constant 2 : i32
      %add3A_138 = arith.addi %add3A_72, %add3A_137 : i32
      %lt3A_139 = arith.constant 50 : i32
      %lt3A_140 = arith.cmpi slt, %add3A_138, %lt3A_139 : i32
      %convert_element_type3A_141 = arith.extui %lt3A_140 : i1 to i32
      %cond3A_142 = arith.constant 0 : i32
      %cond3A_143 = arith.cmpi ne, %convert_element_type3A_141, %cond3A_142 : i32
      scf.if %cond3A_143 {
        %add3A_230 = arith.constant 2 : i32
        %add3A_231 = arith.addi %add3A_72, %add3A_230 : i32
        %jit3A_232 = arith.constant 2 : i32
        %div3A_233 = arith.divsi %add3A_231, %jit3A_232 : i32
        %sign3A_234 = arith.constant 0 : i32
        %sign3A_235 = arith.cmpi sgt, %add3A_231, %sign3A_234 : i32
        %sign3A_236 = arith.extui %sign3A_235 : i1 to i32
        %sign3A_237 = arith.constant 0 : i32
        %sign3A_238 = arith.cmpi slt, %add3A_231, %sign3A_237 : i32
        %sign3A_239 = arith.extui %sign3A_238 : i1 to i32
        %sign3A_240 = arith.subi %sign3A_236, %sign3A_239 : i32
        %sign3A_241 = arith.constant 0 : i32
        %sign3A_242 = arith.cmpi sgt, %jit3A_232, %sign3A_241 : i32
        %sign3A_243 = arith.extui %sign3A_242 : i1 to i32
        %sign3A_244 = arith.constant 0 : i32
        %sign3A_245 = arith.cmpi slt, %jit3A_232, %sign3A_244 : i32
        %sign3A_246 = arith.extui %sign3A_245 : i1 to i32
        %sign3A_247 = arith.subi %sign3A_243, %sign3A_246 : i32
        %ne3A_248 = arith.cmpi ne, %sign3A_240, %sign3A_247 : i32
        %rem3A_249 = arith.remsi %add3A_231, %jit3A_232 : i32
        %ne3A_250 = arith.constant 0 : i32
        %ne3A_251 = arith.cmpi ne, %rem3A_249, %ne3A_250 : i32
        %and3A_252 = arith.andi %ne3A_248, %ne3A_251 : i1
        %sub3A_253 = arith.constant 1 : i32
        %sub3A_254 = arith.subi %div3A_233, %sub3A_253 : i32
        %select_n3A_255 = arith.select %and3A_252, %sub3A_254, %div3A_233 : i32
        %mul3A_256 = arith.constant 8 : i32
        %mul3A_257 = arith.muli %select_n3A_255, %mul3A_256 : i32
        %jit3A_258 = arith.constant 2 : i32
        %eq3A_259 = arith.constant 0 : i32
        %eq3A_260 = arith.cmpi eq, %jit3A_258, %eq3A_259 : i32
        %jit3A_261 = arith.constant 1 : i32
        %select_n3A_262 = arith.select %eq3A_260, %jit3A_261, %jit3A_258 : i32
        %rem3A_263 = arith.remsi %add3A_231, %select_n3A_262 : i32
        %ne3A_264 = arith.constant 0 : i32
        %ne3A_265 = arith.cmpi ne, %rem3A_263, %ne3A_264 : i32
        %lt3A_266 = arith.constant 0 : i32
        %lt3A_267 = arith.cmpi slt, %rem3A_263, %lt3A_266 : i32
        %lt3A_268 = arith.constant 0 : i32
        %lt3A_269 = arith.cmpi slt, %select_n3A_262, %lt3A_268 : i32
        %ne3A_270 = arith.xori %lt3A_267, %lt3A_269 : i1
        %and3A_271 = arith.andi %ne3A_270, %ne3A_265 : i1
        %add3A_272 = arith.addi %rem3A_263, %select_n3A_262 : i32
        %select_n3A_273 = arith.select %and3A_271, %add3A_272, %rem3A_263 : i32
        %mul3A_274 = arith.constant 256 : i32
        %mul3A_275 = arith.muli %select_n3A_273, %mul3A_274 : i32
        %add3A_276 = arith.addi %mul3A_2, %mul3A_275 : i32
        %dma_start3A_277 = arith.constant 0 : i32
        %dma_start3A_278 = arith.constant 0 : i32
        %dma_start3A_279 = arith.constant 0 : i32
        %dma_start3A_280 = tpu.memref_slice %arg7[%dma_start3A_277, %dma_start3A_278, %dma_start3A_279] : memref<2x8x256xi32, #tpu.memory_space<vmem>> -> memref<1x8x256xi32, #tpu.memory_space<vmem>>
        %dma_start3A_281 = tpu.memref_squeeze %dma_start3A_280 : memref<1x8x256xi32, #tpu.memory_space<vmem>> -> memref<8x256xi32, #tpu.memory_space<vmem>>
        %dma_start3A_282 = tpu.memref_slice %arg2[%mul3A_257, %add3A_276] : memref<200x16384xi32, #tpu.memory_space<hbm>> -> memref<8x256xi32, #tpu.memory_space<hbm>>
        %dma_start3A_283 = arith.constant 0 : i32
        %dma_start3A_284 = arith.constant 0 : i32
        %dma_start3A_285 = tpu.memref_slice %arg7[%dma_start3A_277, %dma_start3A_283, %dma_start3A_284] : memref<2x8x256xi32, #tpu.memory_space<vmem>> -> memref<1x8x256xi32, #tpu.memory_space<vmem>>
        %dma_start3A_286 = tpu.memref_squeeze %dma_start3A_285 : memref<1x8x256xi32, #tpu.memory_space<vmem>> -> memref<8x256xi32, #tpu.memory_space<vmem>>
        %dma_start3A_287 = tpu.memref_slice %arg2[%mul3A_257, %add3A_276] : memref<200x16384xi32, #tpu.memory_space<hbm>> -> memref<8x256xi32, #tpu.memory_space<hbm>>
        tpu.enqueue_dma source(%dma_start3A_287 : memref<8x256xi32, #tpu.memory_space<hbm>>) target(%dma_start3A_286 : memref<8x256xi32, #tpu.memory_space<vmem>>) target_semaphore(%arg10 : memref<!tpu.dma_semaphore, #tpu.memory_space<semaphore_mem>>)
      } else {
      }
      %mul3A_144 = arith.constant 2 : i32
      %mul3A_145 = arith.muli %scan3A_68, %mul3A_144 : i32
      %add3A_146 = arith.constant 1 : i32
      %add3A_147 = arith.addi %mul3A_145, %add3A_146 : i32
      %jit3A_148 = arith.constant 2 : i32
      %div3A_149 = arith.divsi %add3A_147, %jit3A_148 : i32
      %sign3A_150 = arith.constant 0 : i32
      %sign3A_151 = arith.cmpi sgt, %add3A_147, %sign3A_150 : i32
      %sign3A_152 = arith.extui %sign3A_151 : i1 to i32
      %sign3A_153 = arith.constant 0 : i32
      %sign3A_154 = arith.cmpi slt, %add3A_147, %sign3A_153 : i32
      %sign3A_155 = arith.extui %sign3A_154 : i1 to i32
      %sign3A_156 = arith.subi %sign3A_152, %sign3A_155 : i32
      %sign3A_157 = arith.constant 0 : i32
      %sign3A_158 = arith.cmpi sgt, %jit3A_148, %sign3A_157 : i32
      %sign3A_159 = arith.extui %sign3A_158 : i1 to i32
      %sign3A_160 = arith.constant 0 : i32
      %sign3A_161 = arith.cmpi slt, %jit3A_148, %sign3A_160 : i32
      %sign3A_162 = arith.extui %sign3A_161 : i1 to i32
      %sign3A_163 = arith.subi %sign3A_159, %sign3A_162 : i32
      %ne3A_164 = arith.cmpi ne, %sign3A_156, %sign3A_163 : i32
      %rem3A_165 = arith.remsi %add3A_147, %jit3A_148 : i32
      %ne3A_166 = arith.constant 0 : i32
      %ne3A_167 = arith.cmpi ne, %rem3A_165, %ne3A_166 : i32
      %and3A_168 = arith.andi %ne3A_164, %ne3A_167 : i1
      %sub3A_169 = arith.constant 1 : i32
      %sub3A_170 = arith.subi %div3A_149, %sub3A_169 : i32
      %select_n3A_171 = arith.select %and3A_168, %sub3A_170, %div3A_149 : i32
      %mul3A_172 = arith.constant 8 : i32
      %mul3A_173 = arith.muli %select_n3A_171, %mul3A_172 : i32
      %jit3A_174 = arith.constant 2 : i32
      %eq3A_175 = arith.constant 0 : i32
      %eq3A_176 = arith.cmpi eq, %jit3A_174, %eq3A_175 : i32
      %jit3A_177 = arith.constant 1 : i32
      %select_n3A_178 = arith.select %eq3A_176, %jit3A_177, %jit3A_174 : i32
      %rem3A_179 = arith.remsi %add3A_147, %select_n3A_178 : i32
      %ne3A_180 = arith.constant 0 : i32
      %ne3A_181 = arith.cmpi ne, %rem3A_179, %ne3A_180 : i32
      %lt3A_182 = arith.constant 0 : i32
      %lt3A_183 = arith.cmpi slt, %rem3A_179, %lt3A_182 : i32
      %lt3A_184 = arith.constant 0 : i32
      %lt3A_185 = arith.cmpi slt, %select_n3A_178, %lt3A_184 : i32
      %ne3A_186 = arith.xori %lt3A_183, %lt3A_185 : i1
      %and3A_187 = arith.andi %ne3A_186, %ne3A_181 : i1
      %add3A_188 = arith.addi %rem3A_179, %select_n3A_178 : i32
      %select_n3A_189 = arith.select %and3A_187, %add3A_188, %rem3A_179 : i32
      %mul3A_190 = arith.constant 256 : i32
      %mul3A_191 = arith.muli %select_n3A_189, %mul3A_190 : i32
      %add3A_192 = arith.addi %mul3A_2, %mul3A_191 : i32
      %dma_wait3A_193 = arith.constant 1 : i32
      %dma_wait3A_194 = arith.constant 0 : i32
      %dma_wait3A_195 = arith.constant 0 : i32
      %dma_wait3A_196 = tpu.memref_slice %arg7[%dma_wait3A_193, %dma_wait3A_194, %dma_wait3A_195] : memref<2x8x256xi32, #tpu.memory_space<vmem>> -> memref<1x8x256xi32, #tpu.memory_space<vmem>>
      %dma_wait3A_197 = tpu.memref_squeeze %dma_wait3A_196 : memref<1x8x256xi32, #tpu.memory_space<vmem>> -> memref<8x256xi32, #tpu.memory_space<vmem>>
      %dma_wait3A_198 = tpu.memref_slice %arg2[%mul3A_173, %add3A_192] : memref<200x16384xi32, #tpu.memory_space<hbm>> -> memref<8x256xi32, #tpu.memory_space<hbm>>
      %dma_wait3A_199 = arith.constant 0 : i32
      %dma_wait3A_200 = arith.constant 0 : i32
      %dma_wait3A_201 = tpu.memref_slice %arg7[%dma_wait3A_193, %dma_wait3A_199, %dma_wait3A_200] : memref<2x8x256xi32, #tpu.memory_space<vmem>> -> memref<1x8x256xi32, #tpu.memory_space<vmem>>
      %dma_wait3A_202 = tpu.memref_squeeze %dma_wait3A_201 : memref<1x8x256xi32, #tpu.memory_space<vmem>> -> memref<8x256xi32, #tpu.memory_space<vmem>>
      %dma_wait3A_203 = tpu.memref_slice %arg2[%mul3A_173, %add3A_192] : memref<200x16384xi32, #tpu.memory_space<hbm>> -> memref<8x256xi32, #tpu.memory_space<hbm>>
      tpu.wait_dma2 semaphore(%arg11 : memref<!tpu.dma_semaphore, #tpu.memory_space<semaphore_mem>>) src(%dma_wait3A_203 : memref<8x256xi32, #tpu.memory_space<hbm>>) dst(%dma_wait3A_202 : memref<8x256xi32, #tpu.memory_space<vmem>>)
      %gt3A_204 = arith.constant 0 : i32
      %gt3A_205 = arith.cmpi sgt, %scan3A_68, %gt3A_204 : i32
      %convert_element_type3A_206 = arith.extui %gt3A_205 : i1 to i32
      %cond3A_207 = arith.constant 0 : i32
      %cond3A_208 = arith.cmpi ne, %convert_element_type3A_206, %cond3A_207 : i32
      scf.if %cond3A_208 {
        %sub3A_230 = arith.constant 2 : i32
        %sub3A_231 = arith.subi %add3A_147, %sub3A_230 : i32
        %jit3A_232 = arith.constant 2 : i32
        %div3A_233 = arith.divsi %sub3A_231, %jit3A_232 : i32
        %sign3A_234 = arith.constant 0 : i32
        %sign3A_235 = arith.cmpi sgt, %sub3A_231, %sign3A_234 : i32
        %sign3A_236 = arith.extui %sign3A_235 : i1 to i32
        %sign3A_237 = arith.constant 0 : i32
        %sign3A_238 = arith.cmpi slt, %sub3A_231, %sign3A_237 : i32
        %sign3A_239 = arith.extui %sign3A_238 : i1 to i32
        %sign3A_240 = arith.subi %sign3A_236, %sign3A_239 : i32
        %sign3A_241 = arith.constant 0 : i32
        %sign3A_242 = arith.cmpi sgt, %jit3A_232, %sign3A_241 : i32
        %sign3A_243 = arith.extui %sign3A_242 : i1 to i32
        %sign3A_244 = arith.constant 0 : i32
        %sign3A_245 = arith.cmpi slt, %jit3A_232, %sign3A_244 : i32
        %sign3A_246 = arith.extui %sign3A_245 : i1 to i32
        %sign3A_247 = arith.subi %sign3A_243, %sign3A_246 : i32
        %ne3A_248 = arith.cmpi ne, %sign3A_240, %sign3A_247 : i32
        %rem3A_249 = arith.remsi %sub3A_231, %jit3A_232 : i32
        %ne3A_250 = arith.constant 0 : i32
        %ne3A_251 = arith.cmpi ne, %rem3A_249, %ne3A_250 : i32
        %and3A_252 = arith.andi %ne3A_248, %ne3A_251 : i1
        %sub3A_253 = arith.constant 1 : i32
        %sub3A_254 = arith.subi %div3A_233, %sub3A_253 : i32
        %select_n3A_255 = arith.select %and3A_252, %sub3A_254, %div3A_233 : i32
        %mul3A_256 = arith.constant 8 : i32
        %mul3A_257 = arith.muli %select_n3A_255, %mul3A_256 : i32
        %jit3A_258 = arith.constant 2 : i32
        %eq3A_259 = arith.constant 0 : i32
        %eq3A_260 = arith.cmpi eq, %jit3A_258, %eq3A_259 : i32
        %jit3A_261 = arith.constant 1 : i32
        %select_n3A_262 = arith.select %eq3A_260, %jit3A_261, %jit3A_258 : i32
        %rem3A_263 = arith.remsi %sub3A_231, %select_n3A_262 : i32
        %ne3A_264 = arith.constant 0 : i32
        %ne3A_265 = arith.cmpi ne, %rem3A_263, %ne3A_264 : i32
        %lt3A_266 = arith.constant 0 : i32
        %lt3A_267 = arith.cmpi slt, %rem3A_263, %lt3A_266 : i32
        %lt3A_268 = arith.constant 0 : i32
        %lt3A_269 = arith.cmpi slt, %select_n3A_262, %lt3A_268 : i32
        %ne3A_270 = arith.xori %lt3A_267, %lt3A_269 : i1
        %and3A_271 = arith.andi %ne3A_270, %ne3A_265 : i1
        %add3A_272 = arith.addi %rem3A_263, %select_n3A_262 : i32
        %select_n3A_273 = arith.select %and3A_271, %add3A_272, %rem3A_263 : i32
        %mul3A_274 = arith.constant 256 : i32
        %mul3A_275 = arith.muli %select_n3A_273, %mul3A_274 : i32
        %add3A_276 = arith.addi %mul3A_2, %mul3A_275 : i32
        %dma_wait3A_277 = arith.constant 1 : i32
        %dma_wait3A_278 = arith.constant 0 : i32
        %dma_wait3A_279 = arith.constant 0 : i32
        %dma_wait3A_280 = tpu.memref_slice %arg8[%dma_wait3A_277, %dma_wait3A_278, %dma_wait3A_279] : memref<2x8x256xf32, #tpu.memory_space<vmem>> -> memref<1x8x256xf32, #tpu.memory_space<vmem>>
        %dma_wait3A_281 = tpu.memref_squeeze %dma_wait3A_280 : memref<1x8x256xf32, #tpu.memory_space<vmem>> -> memref<8x256xf32, #tpu.memory_space<vmem>>
        %dma_wait3A_282 = tpu.memref_slice %arg4[%mul3A_257, %add3A_276] : memref<200x16384xf32, #tpu.memory_space<hbm>> -> memref<8x256xf32, #tpu.memory_space<hbm>>
        %dma_wait3A_283 = tpu.memref_slice %arg4[%mul3A_257, %add3A_276] : memref<200x16384xf32, #tpu.memory_space<hbm>> -> memref<8x256xf32, #tpu.memory_space<hbm>>
        %dma_wait3A_284 = arith.constant 0 : i32
        %dma_wait3A_285 = arith.constant 0 : i32
        %dma_wait3A_286 = tpu.memref_slice %arg8[%dma_wait3A_277, %dma_wait3A_284, %dma_wait3A_285] : memref<2x8x256xf32, #tpu.memory_space<vmem>> -> memref<1x8x256xf32, #tpu.memory_space<vmem>>
        %dma_wait3A_287 = tpu.memref_squeeze %dma_wait3A_286 : memref<1x8x256xf32, #tpu.memory_space<vmem>> -> memref<8x256xf32, #tpu.memory_space<vmem>>
        tpu.wait_dma2 semaphore(%arg13 : memref<!tpu.dma_semaphore, #tpu.memory_space<semaphore_mem>>) src(%dma_wait3A_287 : memref<8x256xf32, #tpu.memory_space<vmem>>) dst(%dma_wait3A_283 : memref<8x256xf32, #tpu.memory_space<hbm>>)
      } else {
      }
      %parallel_loop3A_209 = arith.constant 0 : i32
      %parallel_loop3A_210 = arith.constant 8 : i32
      %parallel_loop3A_211 = arith.constant 1 : i32
      scf.for %parallel_loop3A_230 = %parallel_loop3A_209 to %parallel_loop3A_210 step %parallel_loop3A_211  : i32 {
        %parallel_loop3A_231 = arith.constant 1 : i32
        %parallel_loop3A_232 = arith.index_cast %parallel_loop3A_231 : i32 to index
        %parallel_loop3A_233 = arith.index_cast %parallel_loop3A_230 : i32 to index
        %parallel_loop3A_234 = arith.constant 0 : index
        %parallel_loop3A_235 = tpu.vector_load %arg7[%parallel_loop3A_232, %parallel_loop3A_233, %parallel_loop3A_234] {strides = array<i32>} : memref<2x8x256xi32, #tpu.memory_space<vmem>>, vector<16xi32>,
        %parallel_loop3A_236 = tpu.vector_load_idx %arg5[%parallel_loop3A_235] : memref<100000xf32, #tpu.memory_space<vmem>>[vector<16xi32>], vector<16xf32>,
        %parallel_loop3A_237 = arith.constant 1 : i32
        %parallel_loop3A_238 = arith.index_cast %parallel_loop3A_237 : i32 to index
        %parallel_loop3A_239 = arith.index_cast %parallel_loop3A_230 : i32 to index
        %parallel_loop3A_240 = arith.constant 0 : index
        %parallel_loop3A_241 = tpu.vector_load %arg8[%parallel_loop3A_238, %parallel_loop3A_239, %parallel_loop3A_240] {strides = array<i32>} : memref<2x8x256xf32, #tpu.memory_space<vmem>>, vector<16xf32>,
        tpu.vector_store %arg8[%parallel_loop3A_238, %parallel_loop3A_239, %parallel_loop3A_240], %parallel_loop3A_236 {strides = array<i32>} : memref<2x8x256xf32, #tpu.memory_space<vmem>>, vector<16xf32>,
        %parallel_loop3A_242 = arith.constant 1 : i32
        %parallel_loop3A_243 = arith.index_cast %parallel_loop3A_242 : i32 to index
        %parallel_loop3A_244 = arith.index_cast %parallel_loop3A_230 : i32 to index
        %parallel_loop3A_245 = arith.constant 16 : index
        %parallel_loop3A_246 = tpu.vector_load %arg7[%parallel_loop3A_243, %parallel_loop3A_244, %parallel_loop3A_245] {strides = array<i32>} : memref<2x8x256xi32, #tpu.memory_space<vmem>>, vector<16xi32>,
        %parallel_loop3A_247 = tpu.vector_load_idx %arg5[%parallel_loop3A_246] : memref<100000xf32, #tpu.memory_space<vmem>>[vector<16xi32>], vector<16xf32>,
        %parallel_loop3A_248 = arith.constant 1 : i32
        %parallel_loop3A_249 = arith.index_cast %parallel_loop3A_248 : i32 to index
        %parallel_loop3A_250 = arith.index_cast %parallel_loop3A_230 : i32 to index
        %parallel_loop3A_251 = arith.constant 16 : index
        %parallel_loop3A_252 = tpu.vector_load %arg8[%parallel_loop3A_249, %parallel_loop3A_250, %parallel_loop3A_251] {strides = array<i32>} : memref<2x8x256xf32, #tpu.memory_space<vmem>>, vector<16xf32>,
        tpu.vector_store %arg8[%parallel_loop3A_249, %parallel_loop3A_250, %parallel_loop3A_251], %parallel_loop3A_247 {strides = array<i32>} : memref<2x8x256xf32, #tpu.memory_space<vmem>>, vector<16xf32>,
        %parallel_loop3A_253 = arith.constant 1 : i32
        %parallel_loop3A_254 = arith.index_cast %parallel_loop3A_253 : i32 to index
        %parallel_loop3A_255 = arith.index_cast %parallel_loop3A_230 : i32 to index
        %parallel_loop3A_256 = arith.constant 32 : index
        %parallel_loop3A_257 = tpu.vector_load %arg7[%parallel_loop3A_254, %parallel_loop3A_255, %parallel_loop3A_256] {strides = array<i32>} : memref<2x8x256xi32, #tpu.memory_space<vmem>>, vector<16xi32>,
        %parallel_loop3A_258 = tpu.vector_load_idx %arg5[%parallel_loop3A_257] : memref<100000xf32, #tpu.memory_space<vmem>>[vector<16xi32>], vector<16xf32>,
        %parallel_loop3A_259 = arith.constant 1 : i32
        %parallel_loop3A_260 = arith.index_cast %parallel_loop3A_259 : i32 to index
        %parallel_loop3A_261 = arith.index_cast %parallel_loop3A_230 : i32 to index
        %parallel_loop3A_262 = arith.constant 32 : index
        %parallel_loop3A_263 = tpu.vector_load %arg8[%parallel_loop3A_260, %parallel_loop3A_261, %parallel_loop3A_262] {strides = array<i32>} : memref<2x8x256xf32, #tpu.memory_space<vmem>>, vector<16xf32>,
        tpu.vector_store %arg8[%parallel_loop3A_260, %parallel_loop3A_261, %parallel_loop3A_262], %parallel_loop3A_258 {strides = array<i32>} : memref<2x8x256xf32, #tpu.memory_space<vmem>>, vector<16xf32>,
        %parallel_loop3A_264 = arith.constant 1 : i32
        %parallel_loop3A_265 = arith.index_cast %parallel_loop3A_264 : i32 to index
        %parallel_loop3A_266 = arith.index_cast %parallel_loop3A_230 : i32 to index
        %parallel_loop3A_267 = arith.constant 48 : index
        %parallel_loop3A_268 = tpu.vector_load %arg7[%parallel_loop3A_265, %parallel_loop3A_266, %parallel_loop3A_267] {strides = array<i32>} : memref<2x8x256xi32, #tpu.memory_space<vmem>>, vector<16xi32>,
        %parallel_loop3A_269 = tpu.vector_load_idx %arg5[%parallel_loop3A_268] : memref<100000xf32, #tpu.memory_space<vmem>>[vector<16xi32>], vector<16xf32>,
        %parallel_loop3A_270 = arith.constant 1 : i32
        %parallel_loop3A_271 = arith.index_cast %parallel_loop3A_270 : i32 to index
        %parallel_loop3A_272 = arith.index_cast %parallel_loop3A_230 : i32 to index
        %parallel_loop3A_273 = arith.constant 48 : index
        %parallel_loop3A_274 = tpu.vector_load %arg8[%parallel_loop3A_271, %parallel_loop3A_272, %parallel_loop3A_273] {strides = array<i32>} : memref<2x8x256xf32, #tpu.memory_space<vmem>>, vector<16xf32>,
        tpu.vector_store %arg8[%parallel_loop3A_271, %parallel_loop3A_272, %parallel_loop3A_273], %parallel_loop3A_269 {strides = array<i32>} : memref<2x8x256xf32, #tpu.memory_space<vmem>>, vector<16xf32>,
        %parallel_loop3A_275 = arith.constant 1 : i32
        %parallel_loop3A_276 = arith.index_cast %parallel_loop3A_275 : i32 to index
        %parallel_loop3A_277 = arith.index_cast %parallel_loop3A_230 : i32 to index
        %parallel_loop3A_278 = arith.constant 64 : index
        %parallel_loop3A_279 = tpu.vector_load %arg7[%parallel_loop3A_276, %parallel_loop3A_277, %parallel_loop3A_278] {strides = array<i32>} : memref<2x8x256xi32, #tpu.memory_space<vmem>>, vector<16xi32>,
        %parallel_loop3A_280 = tpu.vector_load_idx %arg5[%parallel_loop3A_279] : memref<100000xf32, #tpu.memory_space<vmem>>[vector<16xi32>], vector<16xf32>,
        %parallel_loop3A_281 = arith.constant 1 : i32
        %parallel_loop3A_282 = arith.index_cast %parallel_loop3A_281 : i32 to index
        %parallel_loop3A_283 = arith.index_cast %parallel_loop3A_230 : i32 to index
        %parallel_loop3A_284 = arith.constant 64 : index
        %parallel_loop3A_285 = tpu.vector_load %arg8[%parallel_loop3A_282, %parallel_loop3A_283, %parallel_loop3A_284] {strides = array<i32>} : memref<2x8x256xf32, #tpu.memory_space<vmem>>, vector<16xf32>,
        tpu.vector_store %arg8[%parallel_loop3A_282, %parallel_loop3A_283, %parallel_loop3A_284], %parallel_loop3A_280 {strides = array<i32>} : memref<2x8x256xf32, #tpu.memory_space<vmem>>, vector<16xf32>,
        %parallel_loop3A_286 = arith.constant 1 : i32
        %parallel_loop3A_287 = arith.index_cast %parallel_loop3A_286 : i32 to index
        %parallel_loop3A_288 = arith.index_cast %parallel_loop3A_230 : i32 to index
        %parallel_loop3A_289 = arith.constant 80 : index
        %parallel_loop3A_290 = tpu.vector_load %arg7[%parallel_loop3A_287, %parallel_loop3A_288, %parallel_loop3A_289] {strides = array<i32>} : memref<2x8x256xi32, #tpu.memory_space<vmem>>, vector<16xi32>,
        %parallel_loop3A_291 = tpu.vector_load_idx %arg5[%parallel_loop3A_290] : memref<100000xf32, #tpu.memory_space<vmem>>[vector<16xi32>], vector<16xf32>,
        %parallel_loop3A_292 = arith.constant 1 : i32
        %parallel_loop3A_293 = arith.index_cast %parallel_loop3A_292 : i32 to index
        %parallel_loop3A_294 = arith.index_cast %parallel_loop3A_230 : i32 to index
        %parallel_loop3A_295 = arith.constant 80 : index
        %parallel_loop3A_296 = tpu.vector_load %arg8[%parallel_loop3A_293, %parallel_loop3A_294, %parallel_loop3A_295] {strides = array<i32>} : memref<2x8x256xf32, #tpu.memory_space<vmem>>, vector<16xf32>,
        tpu.vector_store %arg8[%parallel_loop3A_293, %parallel_loop3A_294, %parallel_loop3A_295], %parallel_loop3A_291 {strides = array<i32>} : memref<2x8x256xf32, #tpu.memory_space<vmem>>, vector<16xf32>,
        %parallel_loop3A_297 = arith.constant 1 : i32
        %parallel_loop3A_298 = arith.index_cast %parallel_loop3A_297 : i32 to index
        %parallel_loop3A_299 = arith.index_cast %parallel_loop3A_230 : i32 to index
        %parallel_loop3A_300 = arith.constant 96 : index
        %parallel_loop3A_301 = tpu.vector_load %arg7[%parallel_loop3A_298, %parallel_loop3A_299, %parallel_loop3A_300] {strides = array<i32>} : memref<2x8x256xi32, #tpu.memory_space<vmem>>, vector<16xi32>,
        %parallel_loop3A_302 = tpu.vector_load_idx %arg5[%parallel_loop3A_301] : memref<100000xf32, #tpu.memory_space<vmem>>[vector<16xi32>], vector<16xf32>,
        %parallel_loop3A_303 = arith.constant 1 : i32
        %parallel_loop3A_304 = arith.index_cast %parallel_loop3A_303 : i32 to index
        %parallel_loop3A_305 = arith.index_cast %parallel_loop3A_230 : i32 to index
        %parallel_loop3A_306 = arith.constant 96 : index
        %parallel_loop3A_307 = tpu.vector_load %arg8[%parallel_loop3A_304, %parallel_loop3A_305, %parallel_loop3A_306] {strides = array<i32>} : memref<2x8x256xf32, #tpu.memory_space<vmem>>, vector<16xf32>,
        tpu.vector_store %arg8[%parallel_loop3A_304, %parallel_loop3A_305, %parallel_loop3A_306], %parallel_loop3A_302 {strides = array<i32>} : memref<2x8x256xf32, #tpu.memory_space<vmem>>, vector<16xf32>,
        %parallel_loop3A_308 = arith.constant 1 : i32
        %parallel_loop3A_309 = arith.index_cast %parallel_loop3A_308 : i32 to index
        %parallel_loop3A_310 = arith.index_cast %parallel_loop3A_230 : i32 to index
        %parallel_loop3A_311 = arith.constant 112 : index
        %parallel_loop3A_312 = tpu.vector_load %arg7[%parallel_loop3A_309, %parallel_loop3A_310, %parallel_loop3A_311] {strides = array<i32>} : memref<2x8x256xi32, #tpu.memory_space<vmem>>, vector<16xi32>,
        %parallel_loop3A_313 = tpu.vector_load_idx %arg5[%parallel_loop3A_312] : memref<100000xf32, #tpu.memory_space<vmem>>[vector<16xi32>], vector<16xf32>,
        %parallel_loop3A_314 = arith.constant 1 : i32
        %parallel_loop3A_315 = arith.index_cast %parallel_loop3A_314 : i32 to index
        %parallel_loop3A_316 = arith.index_cast %parallel_loop3A_230 : i32 to index
        %parallel_loop3A_317 = arith.constant 112 : index
        %parallel_loop3A_318 = tpu.vector_load %arg8[%parallel_loop3A_315, %parallel_loop3A_316, %parallel_loop3A_317] {strides = array<i32>} : memref<2x8x256xf32, #tpu.memory_space<vmem>>, vector<16xf32>,
        tpu.vector_store %arg8[%parallel_loop3A_315, %parallel_loop3A_316, %parallel_loop3A_317], %parallel_loop3A_313 {strides = array<i32>} : memref<2x8x256xf32, #tpu.memory_space<vmem>>, vector<16xf32>,
        %parallel_loop3A_319 = arith.constant 1 : i32
        %parallel_loop3A_320 = arith.index_cast %parallel_loop3A_319 : i32 to index
        %parallel_loop3A_321 = arith.index_cast %parallel_loop3A_230 : i32 to index
        %parallel_loop3A_322 = arith.constant 128 : index
        %parallel_loop3A_323 = tpu.vector_load %arg7[%parallel_loop3A_320, %parallel_loop3A_321, %parallel_loop3A_322] {strides = array<i32>} : memref<2x8x256xi32, #tpu.memory_space<vmem>>, vector<16xi32>,
        %parallel_loop3A_324 = tpu.vector_load_idx %arg5[%parallel_loop3A_323] : memref<100000xf32, #tpu.memory_space<vmem>>[vector<16xi32>], vector<16xf32>,
        %parallel_loop3A_325 = arith.constant 1 : i32
        %parallel_loop3A_326 = arith.index_cast %parallel_loop3A_325 : i32 to index
        %parallel_loop3A_327 = arith.index_cast %parallel_loop3A_230 : i32 to index
        %parallel_loop3A_328 = arith.constant 128 : index
        %parallel_loop3A_329 = tpu.vector_load %arg8[%parallel_loop3A_326, %parallel_loop3A_327, %parallel_loop3A_328] {strides = array<i32>} : memref<2x8x256xf32, #tpu.memory_space<vmem>>, vector<16xf32>,
        tpu.vector_store %arg8[%parallel_loop3A_326, %parallel_loop3A_327, %parallel_loop3A_328], %parallel_loop3A_324 {strides = array<i32>} : memref<2x8x256xf32, #tpu.memory_space<vmem>>, vector<16xf32>,
        %parallel_loop3A_330 = arith.constant 1 : i32
        %parallel_loop3A_331 = arith.index_cast %parallel_loop3A_330 : i32 to index
        %parallel_loop3A_332 = arith.index_cast %parallel_loop3A_230 : i32 to index
        %parallel_loop3A_333 = arith.constant 144 : index
        %parallel_loop3A_334 = tpu.vector_load %arg7[%parallel_loop3A_331, %parallel_loop3A_332, %parallel_loop3A_333] {strides = array<i32>} : memref<2x8x256xi32, #tpu.memory_space<vmem>>, vector<16xi32>,
        %parallel_loop3A_335 = tpu.vector_load_idx %arg5[%parallel_loop3A_334] : memref<100000xf32, #tpu.memory_space<vmem>>[vector<16xi32>], vector<16xf32>,
        %parallel_loop3A_336 = arith.constant 1 : i32
        %parallel_loop3A_337 = arith.index_cast %parallel_loop3A_336 : i32 to index
        %parallel_loop3A_338 = arith.index_cast %parallel_loop3A_230 : i32 to index
        %parallel_loop3A_339 = arith.constant 144 : index
        %parallel_loop3A_340 = tpu.vector_load %arg8[%parallel_loop3A_337, %parallel_loop3A_338, %parallel_loop3A_339] {strides = array<i32>} : memref<2x8x256xf32, #tpu.memory_space<vmem>>, vector<16xf32>,
        tpu.vector_store %arg8[%parallel_loop3A_337, %parallel_loop3A_338, %parallel_loop3A_339], %parallel_loop3A_335 {strides = array<i32>} : memref<2x8x256xf32, #tpu.memory_space<vmem>>, vector<16xf32>,
        %parallel_loop3A_341 = arith.constant 1 : i32
        %parallel_loop3A_342 = arith.index_cast %parallel_loop3A_341 : i32 to index
        %parallel_loop3A_343 = arith.index_cast %parallel_loop3A_230 : i32 to index
        %parallel_loop3A_344 = arith.constant 160 : index
        %parallel_loop3A_345 = tpu.vector_load %arg7[%parallel_loop3A_342, %parallel_loop3A_343, %parallel_loop3A_344] {strides = array<i32>} : memref<2x8x256xi32, #tpu.memory_space<vmem>>, vector<16xi32>,
        %parallel_loop3A_346 = tpu.vector_load_idx %arg5[%parallel_loop3A_345] : memref<100000xf32, #tpu.memory_space<vmem>>[vector<16xi32>], vector<16xf32>,
        %parallel_loop3A_347 = arith.constant 1 : i32
        %parallel_loop3A_348 = arith.index_cast %parallel_loop3A_347 : i32 to index
        %parallel_loop3A_349 = arith.index_cast %parallel_loop3A_230 : i32 to index
        %parallel_loop3A_350 = arith.constant 160 : index
        %parallel_loop3A_351 = tpu.vector_load %arg8[%parallel_loop3A_348, %parallel_loop3A_349, %parallel_loop3A_350] {strides = array<i32>} : memref<2x8x256xf32, #tpu.memory_space<vmem>>, vector<16xf32>,
        tpu.vector_store %arg8[%parallel_loop3A_348, %parallel_loop3A_349, %parallel_loop3A_350], %parallel_loop3A_346 {strides = array<i32>} : memref<2x8x256xf32, #tpu.memory_space<vmem>>, vector<16xf32>,
        %parallel_loop3A_352 = arith.constant 1 : i32
        %parallel_loop3A_353 = arith.index_cast %parallel_loop3A_352 : i32 to index
        %parallel_loop3A_354 = arith.index_cast %parallel_loop3A_230 : i32 to index
        %parallel_loop3A_355 = arith.constant 176 : index
        %parallel_loop3A_356 = tpu.vector_load %arg7[%parallel_loop3A_353, %parallel_loop3A_354, %parallel_loop3A_355] {strides = array<i32>} : memref<2x8x256xi32, #tpu.memory_space<vmem>>, vector<16xi32>,
        %parallel_loop3A_357 = tpu.vector_load_idx %arg5[%parallel_loop3A_356] : memref<100000xf32, #tpu.memory_space<vmem>>[vector<16xi32>], vector<16xf32>,
        %parallel_loop3A_358 = arith.constant 1 : i32
        %parallel_loop3A_359 = arith.index_cast %parallel_loop3A_358 : i32 to index
        %parallel_loop3A_360 = arith.index_cast %parallel_loop3A_230 : i32 to index
        %parallel_loop3A_361 = arith.constant 176 : index
        %parallel_loop3A_362 = tpu.vector_load %arg8[%parallel_loop3A_359, %parallel_loop3A_360, %parallel_loop3A_361] {strides = array<i32>} : memref<2x8x256xf32, #tpu.memory_space<vmem>>, vector<16xf32>,
        tpu.vector_store %arg8[%parallel_loop3A_359, %parallel_loop3A_360, %parallel_loop3A_361], %parallel_loop3A_357 {strides = array<i32>} : memref<2x8x256xf32, #tpu.memory_space<vmem>>, vector<16xf32>,
        %parallel_loop3A_363 = arith.constant 1 : i32
        %parallel_loop3A_364 = arith.index_cast %parallel_loop3A_363 : i32 to index
        %parallel_loop3A_365 = arith.index_cast %parallel_loop3A_230 : i32 to index
        %parallel_loop3A_366 = arith.constant 192 : index
        %parallel_loop3A_367 = tpu.vector_load %arg7[%parallel_loop3A_364, %parallel_loop3A_365, %parallel_loop3A_366] {strides = array<i32>} : memref<2x8x256xi32, #tpu.memory_space<vmem>>, vector<16xi32>,
        %parallel_loop3A_368 = tpu.vector_load_idx %arg5[%parallel_loop3A_367] : memref<100000xf32, #tpu.memory_space<vmem>>[vector<16xi32>], vector<16xf32>,
        %parallel_loop3A_369 = arith.constant 1 : i32
        %parallel_loop3A_370 = arith.index_cast %parallel_loop3A_369 : i32 to index
        %parallel_loop3A_371 = arith.index_cast %parallel_loop3A_230 : i32 to index
        %parallel_loop3A_372 = arith.constant 192 : index
        %parallel_loop3A_373 = tpu.vector_load %arg8[%parallel_loop3A_370, %parallel_loop3A_371, %parallel_loop3A_372] {strides = array<i32>} : memref<2x8x256xf32, #tpu.memory_space<vmem>>, vector<16xf32>,
        tpu.vector_store %arg8[%parallel_loop3A_370, %parallel_loop3A_371, %parallel_loop3A_372], %parallel_loop3A_368 {strides = array<i32>} : memref<2x8x256xf32, #tpu.memory_space<vmem>>, vector<16xf32>,
        %parallel_loop3A_374 = arith.constant 1 : i32
        %parallel_loop3A_375 = arith.index_cast %parallel_loop3A_374 : i32 to index
        %parallel_loop3A_376 = arith.index_cast %parallel_loop3A_230 : i32 to index
        %parallel_loop3A_377 = arith.constant 208 : index
        %parallel_loop3A_378 = tpu.vector_load %arg7[%parallel_loop3A_375, %parallel_loop3A_376, %parallel_loop3A_377] {strides = array<i32>} : memref<2x8x256xi32, #tpu.memory_space<vmem>>, vector<16xi32>,
        %parallel_loop3A_379 = tpu.vector_load_idx %arg5[%parallel_loop3A_378] : memref<100000xf32, #tpu.memory_space<vmem>>[vector<16xi32>], vector<16xf32>,
        %parallel_loop3A_380 = arith.constant 1 : i32
        %parallel_loop3A_381 = arith.index_cast %parallel_loop3A_380 : i32 to index
        %parallel_loop3A_382 = arith.index_cast %parallel_loop3A_230 : i32 to index
        %parallel_loop3A_383 = arith.constant 208 : index
        %parallel_loop3A_384 = tpu.vector_load %arg8[%parallel_loop3A_381, %parallel_loop3A_382, %parallel_loop3A_383] {strides = array<i32>} : memref<2x8x256xf32, #tpu.memory_space<vmem>>, vector<16xf32>,
        tpu.vector_store %arg8[%parallel_loop3A_381, %parallel_loop3A_382, %parallel_loop3A_383], %parallel_loop3A_379 {strides = array<i32>} : memref<2x8x256xf32, #tpu.memory_space<vmem>>, vector<16xf32>,
        %parallel_loop3A_385 = arith.constant 1 : i32
        %parallel_loop3A_386 = arith.index_cast %parallel_loop3A_385 : i32 to index
        %parallel_loop3A_387 = arith.index_cast %parallel_loop3A_230 : i32 to index
        %parallel_loop3A_388 = arith.constant 224 : index
        %parallel_loop3A_389 = tpu.vector_load %arg7[%parallel_loop3A_386, %parallel_loop3A_387, %parallel_loop3A_388] {strides = array<i32>} : memref<2x8x256xi32, #tpu.memory_space<vmem>>, vector<16xi32>,
        %parallel_loop3A_390 = tpu.vector_load_idx %arg5[%parallel_loop3A_389] : memref<100000xf32, #tpu.memory_space<vmem>>[vector<16xi32>], vector<16xf32>,
        %parallel_loop3A_391 = arith.constant 1 : i32
        %parallel_loop3A_392 = arith.index_cast %parallel_loop3A_391 : i32 to index
        %parallel_loop3A_393 = arith.index_cast %parallel_loop3A_230 : i32 to index
        %parallel_loop3A_394 = arith.constant 224 : index
        %parallel_loop3A_395 = tpu.vector_load %arg8[%parallel_loop3A_392, %parallel_loop3A_393, %parallel_loop3A_394] {strides = array<i32>} : memref<2x8x256xf32, #tpu.memory_space<vmem>>, vector<16xf32>,
        tpu.vector_store %arg8[%parallel_loop3A_392, %parallel_loop3A_393, %parallel_loop3A_394], %parallel_loop3A_390 {strides = array<i32>} : memref<2x8x256xf32, #tpu.memory_space<vmem>>, vector<16xf32>,
        %parallel_loop3A_396 = arith.constant 1 : i32
        %parallel_loop3A_397 = arith.index_cast %parallel_loop3A_396 : i32 to index
        %parallel_loop3A_398 = arith.index_cast %parallel_loop3A_230 : i32 to index
        %parallel_loop3A_399 = arith.constant 240 : index
        %parallel_loop3A_400 = tpu.vector_load %arg7[%parallel_loop3A_397, %parallel_loop3A_398, %parallel_loop3A_399] {strides = array<i32>} : memref<2x8x256xi32, #tpu.memory_space<vmem>>, vector<16xi32>,
        %parallel_loop3A_401 = tpu.vector_load_idx %arg5[%parallel_loop3A_400] : memref<100000xf32, #tpu.memory_space<vmem>>[vector<16xi32>], vector<16xf32>,
        %parallel_loop3A_402 = arith.constant 1 : i32
        %parallel_loop3A_403 = arith.index_cast %parallel_loop3A_402 : i32 to index
        %parallel_loop3A_404 = arith.index_cast %parallel_loop3A_230 : i32 to index
        %parallel_loop3A_405 = arith.constant 240 : index
        %parallel_loop3A_406 = tpu.vector_load %arg8[%parallel_loop3A_403, %parallel_loop3A_404, %parallel_loop3A_405] {strides = array<i32>} : memref<2x8x256xf32, #tpu.memory_space<vmem>>, vector<16xf32>,
        tpu.vector_store %arg8[%parallel_loop3A_403, %parallel_loop3A_404, %parallel_loop3A_405], %parallel_loop3A_401 {strides = array<i32>} : memref<2x8x256xf32, #tpu.memory_space<vmem>>, vector<16xf32>,
      } {sc.loop_unroll_factor = 4 : i64, sc.parallel_access}
      %dma_start3A_212 = arith.constant 1 : i32
      %dma_start3A_213 = arith.constant 0 : i32
      %dma_start3A_214 = arith.constant 0 : i32
      %dma_start3A_215 = tpu.memref_slice %arg8[%dma_start3A_212, %dma_start3A_213, %dma_start3A_214] : memref<2x8x256xf32, #tpu.memory_space<vmem>> -> memref<1x8x256xf32, #tpu.memory_space<vmem>>
      %dma_start3A_216 = tpu.memref_squeeze %dma_start3A_215 : memref<1x8x256xf32, #tpu.memory_space<vmem>> -> memref<8x256xf32, #tpu.memory_space<vmem>>
      %dma_start3A_217 = tpu.memref_slice %arg4[%mul3A_173, %add3A_192] : memref<200x16384xf32, #tpu.memory_space<hbm>> -> memref<8x256xf32, #tpu.memory_space<hbm>>
      %dma_start3A_218 = tpu.memref_slice %arg4[%mul3A_173, %add3A_192] : memref<200x16384xf32, #tpu.memory_space<hbm>> -> memref<8x256xf32, #tpu.memory_space<hbm>>
      %dma_start3A_219 = arith.constant 0 : i32
      %dma_start3A_220 = arith.constant 0 : i32
      %dma_start3A_221 = tpu.memref_slice %arg8[%dma_start3A_212, %dma_start3A_219, %dma_start3A_220] : memref<2x8x256xf32, #tpu.memory_space<vmem>> -> memref<1x8x256xf32, #tpu.memory_space<vmem>>
      %dma_start3A_222 = tpu.memref_squeeze %dma_start3A_221 : memref<1x8x256xf32, #tpu.memory_space<vmem>> -> memref<8x256xf32, #tpu.memory_space<vmem>>
      tpu.enqueue_dma source(%dma_start3A_222 : memref<8x256xf32, #tpu.memory_space<vmem>>) target(%dma_start3A_218 : memref<8x256xf32, #tpu.memory_space<hbm>>) target_semaphore(%arg13 : memref<!tpu.dma_semaphore, #tpu.memory_space<semaphore_mem>>)
      %add3A_223 = arith.constant 2 : i32
      %add3A_224 = arith.addi %add3A_147, %add3A_223 : i32
      %lt3A_225 = arith.constant 50 : i32
      %lt3A_226 = arith.cmpi slt, %add3A_224, %lt3A_225 : i32
      %convert_element_type3A_227 = arith.extui %lt3A_226 : i1 to i32
      %cond3A_228 = arith.constant 0 : i32
      %cond3A_229 = arith.cmpi ne, %convert_element_type3A_227, %cond3A_228 : i32
      scf.if %cond3A_229 {
        %add3A_230 = arith.constant 2 : i32
        %add3A_231 = arith.addi %add3A_147, %add3A_230 : i32
        %jit3A_232 = arith.constant 2 : i32
        %div3A_233 = arith.divsi %add3A_231, %jit3A_232 : i32
        %sign3A_234 = arith.constant 0 : i32
        %sign3A_235 = arith.cmpi sgt, %add3A_231, %sign3A_234 : i32
        %sign3A_236 = arith.extui %sign3A_235 : i1 to i32
        %sign3A_237 = arith.constant 0 : i32
        %sign3A_238 = arith.cmpi slt, %add3A_231, %sign3A_237 : i32
        %sign3A_239 = arith.extui %sign3A_238 : i1 to i32
        %sign3A_240 = arith.subi %sign3A_236, %sign3A_239 : i32
        %sign3A_241 = arith.constant 0 : i32
        %sign3A_242 = arith.cmpi sgt, %jit3A_232, %sign3A_241 : i32
        %sign3A_243 = arith.extui %sign3A_242 : i1 to i32
        %sign3A_244 = arith.constant 0 : i32
        %sign3A_245 = arith.cmpi slt, %jit3A_232, %sign3A_244 : i32
        %sign3A_246 = arith.extui %sign3A_245 : i1 to i32
        %sign3A_247 = arith.subi %sign3A_243, %sign3A_246 : i32
        %ne3A_248 = arith.cmpi ne, %sign3A_240, %sign3A_247 : i32
        %rem3A_249 = arith.remsi %add3A_231, %jit3A_232 : i32
        %ne3A_250 = arith.constant 0 : i32
        %ne3A_251 = arith.cmpi ne, %rem3A_249, %ne3A_250 : i32
        %and3A_252 = arith.andi %ne3A_248, %ne3A_251 : i1
        %sub3A_253 = arith.constant 1 : i32
        %sub3A_254 = arith.subi %div3A_233, %sub3A_253 : i32
        %select_n3A_255 = arith.select %and3A_252, %sub3A_254, %div3A_233 : i32
        %mul3A_256 = arith.constant 8 : i32
        %mul3A_257 = arith.muli %select_n3A_255, %mul3A_256 : i32
        %jit3A_258 = arith.constant 2 : i32
        %eq3A_259 = arith.constant 0 : i32
        %eq3A_260 = arith.cmpi eq, %jit3A_258, %eq3A_259 : i32
        %jit3A_261 = arith.constant 1 : i32
        %select_n3A_262 = arith.select %eq3A_260, %jit3A_261, %jit3A_258 : i32
        %rem3A_263 = arith.remsi %add3A_231, %select_n3A_262 : i32
        %ne3A_264 = arith.constant 0 : i32
        %ne3A_265 = arith.cmpi ne, %rem3A_263, %ne3A_264 : i32
        %lt3A_266 = arith.constant 0 : i32
        %lt3A_267 = arith.cmpi slt, %rem3A_263, %lt3A_266 : i32
        %lt3A_268 = arith.constant 0 : i32
        %lt3A_269 = arith.cmpi slt, %select_n3A_262, %lt3A_268 : i32
        %ne3A_270 = arith.xori %lt3A_267, %lt3A_269 : i1
        %and3A_271 = arith.andi %ne3A_270, %ne3A_265 : i1
        %add3A_272 = arith.addi %rem3A_263, %select_n3A_262 : i32
        %select_n3A_273 = arith.select %and3A_271, %add3A_272, %rem3A_263 : i32
        %mul3A_274 = arith.constant 256 : i32
        %mul3A_275 = arith.muli %select_n3A_273, %mul3A_274 : i32
        %add3A_276 = arith.addi %mul3A_2, %mul3A_275 : i32
        %dma_start3A_277 = arith.constant 1 : i32
        %dma_start3A_278 = arith.constant 0 : i32
        %dma_start3A_279 = arith.constant 0 : i32
        %dma_start3A_280 = tpu.memref_slice %arg7[%dma_start3A_277, %dma_start3A_278, %dma_start3A_279] : memref<2x8x256xi32, #tpu.memory_space<vmem>> -> memref<1x8x256xi32, #tpu.memory_space<vmem>>
        %dma_start3A_281 = tpu.memref_squeeze %dma_start3A_280 : memref<1x8x256xi32, #tpu.memory_space<vmem>> -> memref<8x256xi32, #tpu.memory_space<vmem>>
        %dma_start3A_282 = tpu.memref_slice %arg2[%mul3A_257, %add3A_276] : memref<200x16384xi32, #tpu.memory_space<hbm>> -> memref<8x256xi32, #tpu.memory_space<hbm>>
        %dma_start3A_283 = arith.constant 0 : i32
        %dma_start3A_284 = arith.constant 0 : i32
        %dma_start3A_285 = tpu.memref_slice %arg7[%dma_start3A_277, %dma_start3A_283, %dma_start3A_284] : memref<2x8x256xi32, #tpu.memory_space<vmem>> -> memref<1x8x256xi32, #tpu.memory_space<vmem>>
        %dma_start3A_286 = tpu.memref_squeeze %dma_start3A_285 : memref<1x8x256xi32, #tpu.memory_space<vmem>> -> memref<8x256xi32, #tpu.memory_space<vmem>>
        %dma_start3A_287 = tpu.memref_slice %arg2[%mul3A_257, %add3A_276] : memref<200x16384xi32, #tpu.memory_space<hbm>> -> memref<8x256xi32, #tpu.memory_space<hbm>>
        tpu.enqueue_dma source(%dma_start3A_287 : memref<8x256xi32, #tpu.memory_space<hbm>>) target(%dma_start3A_286 : memref<8x256xi32, #tpu.memory_space<vmem>>) target_semaphore(%arg11 : memref<!tpu.dma_semaphore, #tpu.memory_space<semaphore_mem>>)
      } else {
      }
    }
    %scan3A_38 = arith.constant 25 : i32
    %add3A_39 = arith.constant 0 : i32
    %add3A_40 = arith.addi %mul3A_2, %add3A_39 : i32
    %dma_wait3A = arith.constant 0 : i32
    %dma_wait3A_41 = arith.constant 0 : i32
    %dma_wait3A_42 = arith.constant 0 : i32
    %dma_wait3A_43 = tpu.memref_slice %arg8[%dma_wait3A, %dma_wait3A_41, %dma_wait3A_42] : memref<2x8x256xf32, #tpu.memory_space<vmem>> -> memref<1x8x256xf32, #tpu.memory_space<vmem>>
    %dma_wait3A_44 = tpu.memref_squeeze %dma_wait3A_43 : memref<1x8x256xf32, #tpu.memory_space<vmem>> -> memref<8x256xf32, #tpu.memory_space<vmem>>
    %dma_wait3A_45 = arith.constant 192 : i32
    %dma_wait3A_46 = tpu.memref_slice %arg4[%dma_wait3A_45, %add3A_40] : memref<200x16384xf32, #tpu.memory_space<hbm>> -> memref<8x256xf32, #tpu.memory_space<hbm>>
    %dma_wait3A_47 = arith.constant 192 : i32
    %dma_wait3A_48 = tpu.memref_slice %arg4[%dma_wait3A_47, %add3A_40] : memref<200x16384xf32, #tpu.memory_space<hbm>> -> memref<8x256xf32, #tpu.memory_space<hbm>>
    %dma_wait3A_49 = arith.constant 0 : i32
    %dma_wait3A_50 = arith.constant 0 : i32
    %dma_wait3A_51 = tpu.memref_slice %arg8[%dma_wait3A, %dma_wait3A_49, %dma_wait3A_50] : memref<2x8x256xf32, #tpu.memory_space<vmem>> -> memref<1x8x256xf32, #tpu.memory_space<vmem>>
    %dma_wait3A_52 = tpu.memref_squeeze %dma_wait3A_51 : memref<1x8x256xf32, #tpu.memory_space<vmem>> -> memref<8x256xf32, #tpu.memory_space<vmem>>
    tpu.wait_dma2 semaphore(%arg12 : memref<!tpu.dma_semaphore, #tpu.memory_space<semaphore_mem>>) src(%dma_wait3A_52 : memref<8x256xf32, #tpu.memory_space<vmem>>) dst(%dma_wait3A_48 : memref<8x256xf32, #tpu.memory_space<hbm>>)
    %add3A_53 = arith.constant 256 : i32
    %add3A_54 = arith.addi %mul3A_2, %add3A_53 : i32
    %dma_wait3A_55 = arith.constant 1 : i32
    %dma_wait3A_56 = arith.constant 0 : i32
    %dma_wait3A_57 = arith.constant 0 : i32
    %dma_wait3A_58 = tpu.memref_slice %arg8[%dma_wait3A_55, %dma_wait3A_56, %dma_wait3A_57] : memref<2x8x256xf32, #tpu.memory_space<vmem>> -> memref<1x8x256xf32, #tpu.memory_space<vmem>>
    %dma_wait3A_59 = tpu.memref_squeeze %dma_wait3A_58 : memref<1x8x256xf32, #tpu.memory_space<vmem>> -> memref<8x256xf32, #tpu.memory_space<vmem>>
    %dma_wait3A_60 = arith.constant 192 : i32
    %dma_wait3A_61 = tpu.memref_slice %arg4[%dma_wait3A_60, %add3A_54] : memref<200x16384xf32, #tpu.memory_space<hbm>> -> memref<8x256xf32, #tpu.memory_space<hbm>>
    %dma_wait3A_62 = arith.constant 192 : i32
    %dma_wait3A_63 = tpu.memref_slice %arg4[%dma_wait3A_62, %add3A_54] : memref<200x16384xf32, #tpu.memory_space<hbm>> -> memref<8x256xf32, #tpu.memory_space<hbm>>
    %dma_wait3A_64 = arith.constant 0 : i32
    %dma_wait3A_65 = arith.constant 0 : i32
    %dma_wait3A_66 = tpu.memref_slice %arg8[%dma_wait3A_55, %dma_wait3A_64, %dma_wait3A_65] : memref<2x8x256xf32, #tpu.memory_space<vmem>> -> memref<1x8x256xf32, #tpu.memory_space<vmem>>
    %dma_wait3A_67 = tpu.memref_squeeze %dma_wait3A_66 : memref<1x8x256xf32, #tpu.memory_space<vmem>> -> memref<8x256xf32, #tpu.memory_space<vmem>>
    tpu.wait_dma2 semaphore(%arg13 : memref<!tpu.dma_semaphore, #tpu.memory_space<semaphore_mem>>) src(%dma_wait3A_67 : memref<8x256xf32, #tpu.memory_space<vmem>>) dst(%dma_wait3A_63 : memref<8x256xf32, #tpu.memory_space<hbm>>)
    return
  }
}

</mosaic_0001>

<sc_bundles>
// kernel: kernel.3.cloned.1.call-start
scs
__scs_entry_jumppad:
0x0: {  	(pc) =	sbr.rel $0x88, $3  }
0x1: {  	(tag) =	ssettag $0x0;
	lr =	simm.s32 $0x1  }
0x2: {  	[smem:$0x3F9F] =	sst lr;
	_ =	strace $0xD0000000  }
0x3: {  	_ = 	snop  }
0x4: {  	_ = 	snop  }
0x5: {  	_ = 	snop  }
0x6: {  	_ = 	snop  }
0x7: {  	_ = 	snop  }
__scs_overlays_trampoline_lowered:
0x8: {  	[smem:$0x3FAE] =	sst s0  }
0x9: {  	[smem:$0x3FAF] =	sst s1  }
0xa: {  	[smem:$0x3FB0] =	sst s2  }
0xb: {  	[smem:$0x3FB1] =	sst s3  }
0xc: {  	[smem:$0x3FB2] =	sst s4  }
0xd: {  	[smem:$0x3FB3] =	sst s5  }
0xe: {  	[smem:$0x3FB4] =	sst s6  }
0xf: {  	[smem:$0x3FB5] =	sst s7  }
0x10: {  	[smem:$0x3FB6] =	sst s8  }
0x11: {  	[smem:$0x3FB7] =	sst s9;
	s0 =	simm.s32 @!p0 $0x0  }
0x12: {  	s1 =	sld [smem:$0x3F9D];
	s0 =	simm.s32 @p0 $0x1  }
0x13: {  	[smem:$0x3FB8] =	sst s0;
	s0 =	simm.s32 @!p1 $0x0  }
0x14: {  	s2 =	sld [smem:$0x3F9C];
	s0 =	simm.s32 @p1 $0x1  }
0x15: {  	[smem:$0x3FB9] =	sst s0;
	s0 =	simm.s32 @!p2 $0x0  }
0x16: {  	s3 =	sld [smem:$0x3FDB];
	s0 =	simm.s32 @p2 $0x1  }
0x17: {  	s4 =	simm.s32 $0x1BF5;
	[smem:$0x3FBB] =	sst s0  }
0x18: {  	s0 =	sld [smem:$0x3F9E];
	_ =	swait.ge [sflag:s4], $0x0  }
0x19: {  	s7 =	sld [smem:$0x3F9F]  }
0x1a: {  	s8 =	sadd.s32 $0xFFFFE003, lr  }
0x1b: {  	s9 =	sadd.s32 $0xFFFFFEF7, lr;
	s5 =	simm.s32 $0xFFFFFFFF;
	p2 =	slt.u32 s8, $0xFFFFF086  }
0x1c: {  	p1 =	slt.u32 s9, $0xF7A;
	s5 =	simm.s32 @!p2 $0x0  }
0x1d: {  	s5 =	simm.s32 @p1 $0x1;
	p0 =	seq.s32 s7, s2  }
0x1e: {  	s7 =	smul.u32 @!p0 $0xF7A, s2;
	p2 =	seq.s32 @!p0 s5, $0x0  }
0x1f: {  	s9 =	smul.u32 $0xF7A, s1;
	s8 =	simm.s32 @!p0 $0x1BF5;
	p2 =	por !p2, p0  }
0x20: {  	[sflag:s8] =	ssyncset.s32 @!p0 $0xFFFFF086;
	s6 =	sadd.s32 @!p0 s3, s7;
	s7 =	simm.s32 @!p0 $0x108  }
0x21: {  	s3 =	sadd.s32 s3, s9;
	s6 =	sadd.s32 @!p0 $0x88, s6;
	s7 =	simm.s32 @p2 $0x1082  }
0x22: {  	[simem:s7], [sflag:s8] =	dma.local @!p0 [hbm:s6], $0xF7A  }
0x23: {  	s9 =	sor.u32 $0xD0000000, s2;
	s6 =	simm.s32 $0x108;
	_ =	swait.ge @!p0 [sflag:s8], $0x0  }
0x24: {  	s3 =	sadd.s32 $0x88, s3;
	s6 =	simm.s32 @!p1 $0x1082;
	[sflag:s4] =	ssyncset.s32 $0xFFFFF086  }
0x25: {  	[simem:s6], [sflag:s4] =	dma.local [hbm:s3], $0xF7A  }
0x26: {  	[smem:$0x3F9F] =	sst s1;
	(tag) =	ssettag s2;
	_ =	strace s9  }
0x27: {  	s1 =	sld [smem:$0x3FAF]  }
0x28: {  	s2 =	sld [smem:$0x3FB0]  }
0x29: {  	s4 =	sld [smem:$0x3FB2]  }
0x2a: {  	p0 =	seq.s32 s5, $0x0;
	s5 =	sld [smem:$0x3FB3]  }
0x2b: {  	s6 =	sld [smem:$0x3FB4]  }
0x2c: {  	s7 =	sld [smem:$0x3FB5]  }
0x2d: {  	s3 =	simm.s32 $0x108;
	s8 =	sld [smem:$0x3FB6]  }
0x2e: {  	s3 =	simm.s32 @!p0 $0x1082;
	s9 =	sld [smem:$0x3FB7]  }
0x2f: {  	lr =	sadd.s32 s0, s3;
	s0 =	sld [smem:$0x3FAE]  }
0x30: {  	s3 =	sld [smem:$0x3FB1]  }
0x31: {  	[smem:$0x3FBA] =	sst s10  }
0x32: {  	s10 =	sld [smem:$0x3FB8];
	_ =	sdelay $0x3  }
0x33: {  	p0 =	seq.s32 s10, $0x1;
	s10 =	sld [smem:$0x3FBA];
	_ =	sdelay $0x3  }
0x34: {  	[smem:$0x3FBA] =	sst s10  }
0x35: {  	s10 =	sld [smem:$0x3FB9];
	_ =	sdelay $0x3  }
0x36: {  	p1 =	seq.s32 s10, $0x1;
	s10 =	sld [smem:$0x3FBA];
	_ =	sdelay $0x3  }
0x37: {  	[smem:$0x3FBA] =	sst s10  }
0x38: {  	s10 =	sld [smem:$0x3FBB]  }
0x39: {  	_ = 	snop;
	(pc) =	sbr.ind lr, $3  }
0x3a: {  	_ = 	snop  }
0x3b: {  	_ = 	snop  }
0x3c: {  	p2 =	seq.s32 s10, $0x1;
	s10 =	sld [smem:$0x3FBA]  }
0x3d: {  	_ =	shalt  }
0x3e: {  	_ =	shalt  }
0x3f: {  	_ =	shalt  }
0x40: {  	_ =	shalt  }
0x41: {  	_ =	shalt  }
0x42: {  	_ =	shalt  }
0x43: {  	_ =	shalt  }
0x44: {  	_ =	shalt  }
0x45: {  	_ =	shalt  }
0x46: {  	_ =	shalt  }
0x47: {  	_ =	shalt  }
0x48: {  	_ =	shalt  }
0x49: {  	_ =	shalt  }
0x4a: {  	_ =	shalt  }
0x4b: {  	_ =	shalt  }
0x4c: {  	_ =	shalt  }
0x4d: {  	_ =	shalt  }
0x4e: {  	_ =	shalt  }
0x4f: {  	_ =	shalt  }
0x50: {  	_ =	shalt  }
0x51: {  	_ =	shalt  }
0x52: {  	_ =	shalt  }
0x53: {  	_ =	shalt  }
0x54: {  	_ =	shalt  }
0x55: {  	_ =	shalt  }
0x56: {  	_ =	shalt  }
0x57: {  	_ =	shalt  }
0x58: {  	_ =	shalt  }
0x59: {  	_ =	shalt  }
0x5a: {  	_ =	shalt  }
0x5b: {  	_ =	shalt  }
0x5c: {  	_ =	shalt  }
0x5d: {  	_ =	shalt  }
0x5e: {  	_ =	shalt  }
0x5f: {  	_ =	shalt  }
0x60: {  	_ =	shalt  }
0x61: {  	_ =	shalt  }
0x62: {  	_ =	shalt  }
0x63: {  	_ =	shalt  }
0x64: {  	_ =	shalt  }
0x65: {  	_ =	shalt  }
0x66: {  	_ =	shalt  }
0x67: {  	_ =	shalt  }
0x68: {  	_ =	shalt  }
0x69: {  	_ =	shalt  }
0x6a: {  	_ =	shalt  }
0x6b: {  	_ =	shalt  }
0x6c: {  	_ =	shalt  }
0x6d: {  	_ =	shalt  }
0x6e: {  	_ =	shalt  }
0x6f: {  	_ =	shalt  }
0x70: {  	_ =	shalt  }
0x71: {  	_ =	shalt  }
0x72: {  	_ =	shalt  }
0x73: {  	_ =	shalt  }
0x74: {  	_ =	shalt  }
0x75: {  	_ =	shalt  }
0x76: {  	_ =	shalt  }
0x77: {  	_ =	shalt  }
0x78: {  	_ =	shalt  }
0x79: {  	_ =	shalt  }
0x7a: {  	_ =	shalt  }
0x7b: {  	_ =	shalt  }
0x7c: {  	_ =	shalt  }
0x7d: {  	_ =	shalt  }
0x7e: {  	_ =	shalt  }
0x7f: {  	_ =	shalt  }
0x80: {  	_ =	shalt  }
0x81: {  	_ =	shalt  }
0x82: {  	_ =	shalt  }
0x83: {  	_ =	shalt  }
0x84: {  	_ =	shalt  }
0x85: {  	_ =	shalt  }
0x86: {  	_ =	shalt  }
0x87: {  	_ =	shalt  }
.Lfunc_end0:
.L_simem_size_0:
called_computation_lowered:
.L_overlay_start_0:
0x88: {  	s2 =	sld [smem:$0x3FD9]  }
0x89: {  	s3 =	sld [smem:$0x3FFE];
	_ =	sdelay $0x1  }
0x8a: {  	s1 =	srdreg.scid  }
0x8b: {  	s0 =	sand.u32 $0x1, s1  }
0x8c: {  	s18 =	sshll.u32 s0, $0xA;
	s2 =	sadd.s32 s3, s2  }
0x8d: {  	s2 =	sadd.s32 s2, s18  }
0x8e: {  	[smem:$0x3FC6] =	sst s2  }
0x8f: {  	_ = 	snop  }
0x90: {  	s2 =	sld [smem:$0x3FC9]  }
0x91: {  	s19 =	sld [smem:$0x3FC8]  }
0x92: {  	s4 =	sld [smem:$0x3FD0];
	(tm) =	ssettm $0x1  }
0x93: {  	s5 =	sld [smem:$0x3FFB];
	_ =	sdelay $0x3  }
0x94: {  	_ =	strace s5  }
0x95: {  	s5 =	sld [smem:$0x3FFC];
	_ =	sdelay $0x3  }
0x96: {  	_ =	strace s5  }
0x97: {  	s5 =	sld [smem:$0x3FFD];
	_ =	sdelay $0x3  }
0x98: {  	_ =	strace s5  }
0x99: {  	_ =	strace $0x8FFFFFFF  }
0x9a: {  	s20 =	sld [smem:$0x3FDB];
	_ =	sdelay $0x1  }
0x9b: {  	s6 =	simm.s32 $_scs_section_size  }
0x9c: {  	s7 =	simm.s32 $_size__tile_overlayer_lowered;
	s8 =	simm.s32 $_tile_overlayer_lowered  }
0x9d: {  	s23 =	simm.s32 $0x1BFF;
	s22 =	sshll.u32 s8, $0x1;
	s5 =	sadd.s32 s6, s20  }
0x9e: {  	s9 =	simm.s32 $0x0;
	s21 =	sshll.u32 s7, $0x1;
	s7 =	sadd.s32 s22, s5  }
0x9f: {  	[timem:s9], [sflag:s23] =	dma.local [hbm:s7], s21  }
0xa0: {  	_ =	swait.ge [sflag:s23], s21  }
0xa1: {  	s6 =	ssub.s32 $0x0, s21;
	[sflag:s23] =	ssyncset.done $0x0  }
0xa2: {  	[sflag:s23] =	ssyncadd.s32 s6;
	_ =	sdelay $0x1  }
0xa3: {  	s24 =	simm.s32 $0x1B8B  }
0xa4: {  	_ =	swait.ge [sflag:s24], $0x1  }
0xa5: {  	[sflag:s24] =	ssyncset.done $0x0  }
0xa6: {  	s25 =	simm.s32 $0x1B8E;
	[sflag:s24] =	ssyncadd.s32 $0xFFFFFFFF  }
0xa7: {  	s26 =	simm.s32 $execute0_lowered;
	[smem:$0x3FD2] =	sst s25  }
0xa8: {  	s6 =	sshll.u32 s26, $0x1;
	_ =	strace $0x80000046;
	[dreg:$0x1] =	wrdreg $0xFFFFFFFF  }
0xa9: {  	s28 =	simm.s32 $_size_execute0_lowered;
	s5 =	sadd.s32 s5, s6;
	[dreg:$0x0] =	wrdreg $0x0  }
0xaa: {  	s6 =	sshll.u32 s28, $0x1;
	[dreg:$0x2] =	wrdreg s5  }
0xab: {  	[dreg:$0x3] =	wrdreg s6  }
0xac: {  	[dreg:$0x4] =	wrdreg $0xC0  }
0xad: {  	_ =	task [dreg:s9], $0x5FFFF  }
0xae: {  	[dreg:$0x1] =	wrdreg $0xFFFFFFFF  }
0xaf: {  	[dreg:$0x0] =	wrdreg $0x60  }
0xb0: {  	[dreg:$0x2] =	wrdreg s2  }
0xb1: {  	[dreg:$0x3] =	wrdreg s19  }
0xb2: {  	[dreg:$0x4] =	wrdreg s4  }
0xb3: {  	[dreg:$0x5] =	wrdreg $0x187000  }
0xb4: {  	[dreg:$0x6] =	wrdreg $0x9  }
0xb5: {  	_ =	task.clear_ibuf [dreg:s9], $0x7FFFF;
	_ =	strace $0x90000046  }
0xb6: {  	s29 =	simm.s32 $0x9;
	_ =	strace $0x80000048  }
0xb7: {  	_ =	swait.ge [sflag:s29], $0x1  }
0xb8: {  	[sflag:s29] =	ssyncadd.s32 $0xFFFFFFFF  }
0xb9: {  	_ =	strace $0x90000048  }
0xba: {  	_ =	sfence  }
0xbb: {  	s30 =	sld [smem:$0x0];
	_ =	sdelay $0x2  }
0xbc: {  	s31 =	sshll.u32 s1, $0xD;
	s1 =	sshrl.u32 s1, $0x2  }
0xbd: {  	s3 =	sand.u32 $0x4000, s31;
	s1 =	sadd.s32 s1, s30  }
0xbe: {  	s0 =	sor.u32 s3, s0;
	s1 =	sshll.u32 s1, $0x11  }
0xbf: {  	s0 =	sor.u32 s1, s0  }
0xc0: {  	s0 =	sadd.s32 $0x8F2B, s0  }
0xc1: {  	[sflag:s0] =	ssyncadd.remote.s32 $0x1  }
0xc2: {  	_ =	sfence.sel $0xFFFF  }
0xc3: {  	[dreg:$0x0] =	wrdreg $0xFFFFFFFF;
	(pc) =	sbr.abs _section_cstart, $3  }
0xc4: {  	[dreg:$0x1] =	wrdreg $0xFFFFFFFF  }
0xc5: {  	_ =	task.clear_ibuf [dreg:s9], $0x2FFFF;
	_ =	strace $0x9FFFFFFF  }
0xc6: {  	(tm) =	ssettm $0x7FFFFFFF  }
0xc7: {  	_ =	shalt  }
tec
execute0_lowered:
.L_overlay_start_1:
0x0: {  	(tag) =	ssettag $0x1  }
0x1: {  	s5 =	rddreg [dreg:$0x0]  }
0x2: {  	s1 =	rddreg [dreg:$0x1]  }
0x3: {  	s8 =	rddreg [dreg:$0x2]  }
0x4: {  	s2 =	rddreg [dreg:$0x3]  }
0x5: {  	s4 =	srdreg.scid;
	s0 =	rddreg [dreg:$0x4]  }
0x6: {  	s3 =	simm.s32 $0x0;
	s10 =	stileid.u32;
	s13 =	simm.s32 $0x1A770  }
0x7: {  	s14 =	simm.s32 $0x1;
	s15 =	simm.s32 $0x2;
	s16 =	simm.s32 $0x1AF70  }
0x8: {  	s17 =	simm.s32 $0x3;
	s18 =	simm.s32 $0x5;
	s19 =	simm.s32 $0x1B770  }
0x9: {  	s20 =	simm.s32 $0x4;
	s21 =	simm.s32 $0x0;
	s4 =	sand.u32 $0x1, s4  }
0xa: {  	[smem:$0x7FF] =	sst s3;
	s9 =	sshll.u32 s10, $0xA;
	s12 =	sadd.s32 $0x4000, s5  }
0xb: {  	p0 =	sne.s32 s10, $0x0;
	s6 =	ssub.s32 $0x2, s4;
	s4 =	sshll.u32 s4, $0x9  }
.Ltmp0:
0xc: {  	s7 =	sshrl.u32 s6, $0x1;
	s31 =	sor.u32 s4, s9;
	(pc) =	sbr.rel .LBB2_1-.Ltmp0, $4  }
0xd: {  	_ =	strace $0x80000047;
	s11 =	ssub.s32 s6, s7;
	s4 =	sadd.s32 s5, s31  }
0xe: {  	s9 =	sor.u32 $0x100, s31;
	s6 =	sadd.s32 s8, s31;
	s7 =	sadd.s32 s31, s12  }
0xf: {  	s5 =	sadd.s32 s5, s9;
	s8 =	sadd.s32 s8, s9;
	s9 =	sadd.s32 s9, s12  }
0x10: {  	s10 =	smax.u32 s11, $0x1;
	s11 =	sshrl.u32 @!p0 s2, $0x3;
	s12 =	simm.s32 $0x19F70  }
.LBB2_12:
0x11: {  	s21 =	sadd.s32 $0x1, s21  }
0x12: {  	_ =	swait.ge [sflag:s20], $0x800;
	p1 =	sne.s32 s21, s10  }
.Ltmp1:
0x13: {  	[sflag:s20] =	ssyncset.done $0x0;
	(pc) =	sbr.rel @!p1 .LBB2_13-.Ltmp1, $4  }
0x14: {  	[sflag:s20] =	ssyncadd.s32 $0xFFFFF800  }
0x15: {  	_ =	swait.ge [sflag:s18], $0x800  }
0x16: {  	[sflag:s18] =	ssyncset.done $0x0  }
0x17: {  	[sflag:s18] =	ssyncadd.s32 $0xFFFFF800  }
.LBB2_1:
0x18: {  	s22 =	simm.s32 @!p0 $0x1C06  }
0x19: {  	[spmem:s11], [sflag:s22] =	dma.local @!p0 [hbm:s1], $0x30E0  }
0x1a: {  	s22 =	simm.s32 @!p0 $0x6  }
0x1b: {  	_ =	swait.ge @!p0 [sflag:s22], $0x30E0  }
0x1c: {  	[sflag:s22] =	ssyncset.done @!p0 $0x0  }
0x1d: {  	[sflag:s22] =	ssyncadd.s32 @!p0 $0xFFFFCF20  }
0x1e: {  	[tilespmem:s12], [sflag:$0x2] =	stream.linear.gather [hbm4b:s4+s3], $0x800, $0x38;
	[tilespmem:$0x1BF70] =	vst v63  }
0x1f: {  	_ = 	snop  }
0x20: {  	[tilespmem:s13], [sflag:$0x3] =	stream.linear.gather [hbm4b:s5+s3], $0x800, $0x38;
	[tilespmem:$0x1BF70] =	vst v63  }
0x21: {  	[bflag:$0x0] =	sbarrier.arrive $0xFFFF  }
0x22: {  	[tilespmem:s3], [sflag:$0x1] =	stream.linear.gather [spmem:s2], $0x18700, $0x38;
	[tilespmem:$0x1BF70] =	vst v63  }
0x23: {  	_ =	swait.ge [sflag:s14], $0x18700  }
0x24: {  	[sflag:s14] =	ssyncset.done $0x0  }
0x25: {  	s22 =	simm.s32 $0x0;
	[sflag:s14] =	ssyncadd.s32 $0xFFFE7900  }
.LBB2_2:
0x26: {  	_ =	swait.ge [sflag:s15], $0x800  }
0x27: {  	p1 =	seq.s32 s22, $0x0;
	[sflag:s15] =	ssyncset.done $0x0  }
0x28: {  	s23 =	simm.s32 @!p1 $0x4;
	[sflag:s15] =	ssyncadd.s32 $0xFFFFF800  }
0x29: {  	_ =	swait.ge @!p1 [sflag:s23], $0x800  }
0x2a: {  	[sflag:s23] =	ssyncset.done @!p1 $0x0  }
0x2b: {  	p2 =	por $0x1, $0x1;
	[sflag:s23] =	ssyncadd.s32 @!p1 $0xFFFFF800;
	s23 =	simm.s32 $0x0  }
.LBB2_3:
0x2c: {  	v0 =	vld [tilespmem:s23+$0x19F70]  }
0x2d: {  	v1 =	vld [tilespmem:s23+$0x19FF0]  }
0x2e: {  	v2 =	vld [tilespmem:s23+$0x1A070]  }
0x2f: {  	v3 =	vld [tilespmem:s23+$0x1A0F0]  }
0x30: {  	v62 =	vld [tilespmem:s23+$0x19F80]  }
0x31: {  	v63 =	vld [tilespmem:s23+$0x1A000]  }
0x32: {  	v6 =	vld [tilespmem:s23+$0x1A080]  }
0x33: {  	v7 =	vld [tilespmem:s23+$0x1A100]  }
0x34: {  	v8 =	vld [tilespmem:s23+$0x19F90]  }
0x35: {  	v9 =	vld [tilespmem:s23+$0x1A010]  }
0x36: {  	v10 =	vld [tilespmem:s23+$0x1A090]  }
0x37: {  	v11 =	vld [tilespmem:s23+$0x1A110]  }
0x38: {  	v12 =	vld [tilespmem:s23+$0x19FA0]  }
0x39: {  	v13 =	vld [tilespmem:s23+$0x1A020]  }
0x3a: {  	v14 =	vld [tilespmem:s23+$0x1A0A0]  }
0x3b: {  	v15 =	vld [tilespmem:s23+$0x1A120]  }
0x3c: {  	v16 =	vld [tilespmem:s23+$0x19FB0]  }
0x3d: {  	v17 =	vld [tilespmem:s23+$0x1A030]  }
0x3e: {  	v18 =	vld [tilespmem:s23+$0x1A0B0]  }
0x3f: {  	v19 =	vld [tilespmem:s23+$0x1A130]  }
0x40: {  	v20 =	vld [tilespmem:s23+$0x19FC0]  }
0x41: {  	v21 =	vld [tilespmem:s23+$0x1A040]  }
0x42: {  	v22 =	vld [tilespmem:s23+$0x1A0C0]  }
0x43: {  	v23 =	vld [tilespmem:s23+$0x1A140]  }
0x44: {  	v24 =	vld [tilespmem:s23+$0x19FD0]  }
0x45: {  	v25 =	vld [tilespmem:s23+$0x1A050]  }
0x46: {  	v26 =	vld [tilespmem:s23+$0x1A0D0]  }
0x47: {  	v27 =	vld [tilespmem:s23+$0x1A150]  }
0x48: {  	v28 =	vld [tilespmem:s23+$0x19FE0]  }
0x49: {  	v29 =	vld [tilespmem:s23+$0x1A060]  }
0x4a: {  	v30 =	vld [tilespmem:s23+$0x1A0E0]  }
0x4b: {  	v31 =	vld [tilespmem:s23+$0x1A160]  }
0x4c: {  	v32 =	vld [tilespmem:s23+$0x1A370]  }
0x4d: {  	v33 =	vld [tilespmem:s23+$0x1A3F0]  }
0x4e: {  	v34 =	vld [tilespmem:s23+$0x1A470]  }
0x4f: {  	v35 =	vld [tilespmem:s23+$0x1A4F0]  }
0x50: {  	v0 =	vld.idx.msk [tilespmem:v0+s3+$0x0], $0xffff  }
0x51: {  	v1 =	vld.idx.msk [tilespmem:v1+s3+$0x0], $0xffff  }
0x52: {  	v2 =	vld.idx.msk [tilespmem:v2+s3+$0x0], $0xffff  }
0x53: {  	v3 =	vld.idx.msk [tilespmem:v3+s3+$0x0], $0xffff  }
0x54: {  	v36 =	vld [tilespmem:s23+$0x1A380]  }
0x55: {  	v37 =	vld [tilespmem:s23+$0x1A400];
	[tilespmem:s23+$0x1AF70] =	vst v0  }
0x56: {  	[tilespmem:s23+$0x1AFF0] =	vst v1;
	v0 =	vld.idx.msk [tilespmem:v62+s3+$0x0], $0xffff  }
0x57: {  	[tilespmem:s23+$0x1B070] =	vst v2;
	v1 =	vld.idx.msk [tilespmem:v63+s3+$0x0], $0xffff  }
0x58: {  	[tilespmem:s23+$0x1B0F0] =	vst v3;
	v2 =	vld.idx.msk [tilespmem:v6+s3+$0x0], $0xffff  }
0x59: {  	v3 =	vld.idx.msk [tilespmem:v7+s3+$0x0], $0xffff  }
0x5a: {  	v38 =	vld [tilespmem:s23+$0x1A480]  }
0x5b: {  	v39 =	vld [tilespmem:s23+$0x1A500];
	[tilespmem:s23+$0x1AF80] =	vst v0  }
0x5c: {  	[tilespmem:s23+$0x1B000] =	vst v1;
	v0 =	vld.idx.msk [tilespmem:v8+s3+$0x0], $0xffff  }
0x5d: {  	[tilespmem:s23+$0x1B080] =	vst v2;
	v1 =	vld.idx.msk [tilespmem:v9+s3+$0x0], $0xffff  }
0x5e: {  	[tilespmem:s23+$0x1B100] =	vst v3;
	v2 =	vld.idx.msk [tilespmem:v10+s3+$0x0], $0xffff  }
0x5f: {  	v3 =	vld.idx.msk [tilespmem:v11+s3+$0x0], $0xffff  }
0x60: {  	v40 =	vld [tilespmem:s23+$0x1A390]  }
0x61: {  	v41 =	vld [tilespmem:s23+$0x1A410];
	[tilespmem:s23+$0x1AF90] =	vst v0  }
0x62: {  	[tilespmem:s23+$0x1B010] =	vst v1;
	v0 =	vld.idx.msk [tilespmem:v12+s3+$0x0], $0xffff  }
0x63: {  	[tilespmem:s23+$0x1B090] =	vst v2;
	v1 =	vld.idx.msk [tilespmem:v13+s3+$0x0], $0xffff  }
0x64: {  	[tilespmem:s23+$0x1B110] =	vst v3;
	v2 =	vld.idx.msk [tilespmem:v14+s3+$0x0], $0xffff  }
0x65: {  	v3 =	vld.idx.msk [tilespmem:v15+s3+$0x0], $0xffff  }
0x66: {  	v42 =	vld [tilespmem:s23+$0x1A490]  }
0x67: {  	v43 =	vld [tilespmem:s23+$0x1A510];
	[tilespmem:s23+$0x1AFA0] =	vst v0  }
0x68: {  	[tilespmem:s23+$0x1B020] =	vst v1;
	v0 =	vld.idx.msk [tilespmem:v16+s3+$0x0], $0xffff  }
0x69: {  	[tilespmem:s23+$0x1B0A0] =	vst v2;
	v1 =	vld.idx.msk [tilespmem:v17+s3+$0x0], $0xffff  }
0x6a: {  	[tilespmem:s23+$0x1B120] =	vst v3;
	v2 =	vld.idx.msk [tilespmem:v18+s3+$0x0], $0xffff  }
0x6b: {  	v3 =	vld.idx.msk [tilespmem:v19+s3+$0x0], $0xffff  }
0x6c: {  	v44 =	vld [tilespmem:s23+$0x1A3A0]  }
0x6d: {  	v45 =	vld [tilespmem:s23+$0x1A420];
	[tilespmem:s23+$0x1AFB0] =	vst v0  }
0x6e: {  	[tilespmem:s23+$0x1B030] =	vst v1;
	v0 =	vld.idx.msk [tilespmem:v20+s3+$0x0], $0xffff  }
0x6f: {  	[tilespmem:s23+$0x1B0B0] =	vst v2;
	v1 =	vld.idx.msk [tilespmem:v21+s3+$0x0], $0xffff  }
0x70: {  	[tilespmem:s23+$0x1B130] =	vst v3;
	v2 =	vld.idx.msk [tilespmem:v22+s3+$0x0], $0xffff  }
0x71: {  	v3 =	vld.idx.msk [tilespmem:v23+s3+$0x0], $0xffff  }
0x72: {  	v46 =	vld [tilespmem:s23+$0x1A4A0]  }
0x73: {  	v47 =	vld [tilespmem:s23+$0x1A520];
	[tilespmem:s23+$0x1AFC0] =	vst v0  }
0x74: {  	[tilespmem:s23+$0x1B040] =	vst v1;
	v0 =	vld.idx.msk [tilespmem:v24+s3+$0x0], $0xffff  }
0x75: {  	[tilespmem:s23+$0x1B0C0] =	vst v2;
	v1 =	vld.idx.msk [tilespmem:v25+s3+$0x0], $0xffff  }
0x76: {  	[tilespmem:s23+$0x1B140] =	vst v3;
	v2 =	vld.idx.msk [tilespmem:v26+s3+$0x0], $0xffff  }
0x77: {  	v3 =	vld.idx.msk [tilespmem:v27+s3+$0x0], $0xffff  }
0x78: {  	v48 =	vld [tilespmem:s23+$0x1A3B0]  }
0x79: {  	v49 =	vld [tilespmem:s23+$0x1A430];
	[tilespmem:s23+$0x1AFD0] =	vst v0  }
0x7a: {  	[tilespmem:s23+$0x1B050] =	vst v1;
	v0 =	vld.idx.msk [tilespmem:v28+s3+$0x0], $0xffff  }
0x7b: {  	[tilespmem:s23+$0x1B0D0] =	vst v2;
	v1 =	vld.idx.msk [tilespmem:v29+s3+$0x0], $0xffff  }
0x7c: {  	[tilespmem:s23+$0x1B150] =	vst v3;
	v2 =	vld.idx.msk [tilespmem:v30+s3+$0x0], $0xffff  }
0x7d: {  	v3 =	vld.idx.msk [tilespmem:v31+s3+$0x0], $0xffff  }
0x7e: {  	v50 =	vld [tilespmem:s23+$0x1A4B0]  }
0x7f: {  	v51 =	vld [tilespmem:s23+$0x1A530];
	[tilespmem:s23+$0x1AFE0] =	vst v0  }
0x80: {  	[tilespmem:s23+$0x1B060] =	vst v1;
	v0 =	vld.idx.msk [tilespmem:v32+s3+$0x0], $0xffff  }
0x81: {  	[tilespmem:s23+$0x1B0E0] =	vst v2;
	v1 =	vld.idx.msk [tilespmem:v33+s3+$0x0], $0xffff  }
0x82: {  	[tilespmem:s23+$0x1B160] =	vst v3;
	v2 =	vld.idx.msk [tilespmem:v34+s3+$0x0], $0xffff  }
0x83: {  	v3 =	vld.idx.msk [tilespmem:v35+s3+$0x0], $0xffff  }
0x84: {  	v52 =	vld [tilespmem:s23+$0x1A3C0]  }
0x85: {  	v53 =	vld [tilespmem:s23+$0x1A440];
	[tilespmem:s23+$0x1B370] =	vst v0  }
0x86: {  	[tilespmem:s23+$0x1B3F0] =	vst v1;
	v0 =	vld.idx.msk [tilespmem:v36+s3+$0x0], $0xffff  }
0x87: {  	[tilespmem:s23+$0x1B470] =	vst v2;
	v1 =	vld.idx.msk [tilespmem:v37+s3+$0x0], $0xffff  }
0x88: {  	[tilespmem:s23+$0x1B4F0] =	vst v3;
	v2 =	vld.idx.msk [tilespmem:v38+s3+$0x0], $0xffff  }
0x89: {  	v3 =	vld.idx.msk [tilespmem:v39+s3+$0x0], $0xffff  }
0x8a: {  	v54 =	vld [tilespmem:s23+$0x1A4C0]  }
0x8b: {  	v55 =	vld [tilespmem:s23+$0x1A540];
	[tilespmem:s23+$0x1B380] =	vst v0  }
0x8c: {  	[tilespmem:s23+$0x1B400] =	vst v1;
	v0 =	vld.idx.msk [tilespmem:v40+s3+$0x0], $0xffff  }
0x8d: {  	[tilespmem:s23+$0x1B480] =	vst v2;
	v1 =	vld.idx.msk [tilespmem:v41+s3+$0x0], $0xffff  }
0x8e: {  	[tilespmem:s23+$0x1B500] =	vst v3;
	v2 =	vld.idx.msk [tilespmem:v42+s3+$0x0], $0xffff  }
0x8f: {  	v3 =	vld.idx.msk [tilespmem:v43+s3+$0x0], $0xffff  }
0x90: {  	v56 =	vld [tilespmem:s23+$0x1A3D0]  }
0x91: {  	v57 =	vld [tilespmem:s23+$0x1A450];
	[tilespmem:s23+$0x1B390] =	vst v0  }
0x92: {  	[tilespmem:s23+$0x1B410] =	vst v1;
	v0 =	vld.idx.msk [tilespmem:v44+s3+$0x0], $0xffff  }
0x93: {  	[tilespmem:s23+$0x1B490] =	vst v2;
	v1 =	vld.idx.msk [tilespmem:v45+s3+$0x0], $0xffff  }
0x94: {  	[tilespmem:s23+$0x1B510] =	vst v3;
	v2 =	vld.idx.msk [tilespmem:v46+s3+$0x0], $0xffff  }
0x95: {  	v3 =	vld.idx.msk [tilespmem:v47+s3+$0x0], $0xffff  }
0x96: {  	v58 =	vld [tilespmem:s23+$0x1A4D0]  }
0x97: {  	v59 =	vld [tilespmem:s23+$0x1A550];
	[tilespmem:s23+$0x1B3A0] =	vst v0  }
0x98: {  	[tilespmem:s23+$0x1B420] =	vst v1;
	v0 =	vld.idx.msk [tilespmem:v48+s3+$0x0], $0xffff  }
0x99: {  	[tilespmem:s23+$0x1B4A0] =	vst v2;
	v1 =	vld.idx.msk [tilespmem:v49+s3+$0x0], $0xffff  }
0x9a: {  	[tilespmem:s23+$0x1B520] =	vst v3;
	v2 =	vld.idx.msk [tilespmem:v50+s3+$0x0], $0xffff  }
0x9b: {  	v3 =	vld.idx.msk [tilespmem:v51+s3+$0x0], $0xffff  }
0x9c: {  	v60 =	vld [tilespmem:s23+$0x1A3E0]  }
0x9d: {  	v61 =	vld [tilespmem:s23+$0x1A460];
	[tilespmem:s23+$0x1B3B0] =	vst v0  }
0x9e: {  	[tilespmem:s23+$0x1B430] =	vst v1;
	v0 =	vld.idx.msk [tilespmem:v52+s3+$0x0], $0xffff  }
0x9f: {  	[tilespmem:s23+$0x1B4B0] =	vst v2;
	v1 =	vld.idx.msk [tilespmem:v53+s3+$0x0], $0xffff  }
0xa0: {  	[tilespmem:s23+$0x1B530] =	vst v3;
	v2 =	vld.idx.msk [tilespmem:v54+s3+$0x0], $0xffff  }
0xa1: {  	v3 =	vld.idx.msk [tilespmem:v55+s3+$0x0], $0xffff  }
0xa2: {  	v62 =	vld [tilespmem:s23+$0x1A4E0]  }
0xa3: {  	v63 =	vld [tilespmem:s23+$0x1A560];
	[tilespmem:s23+$0x1B3C0] =	vst v0  }
0xa4: {  	[tilespmem:s23+$0x1B440] =	vst v1;
	v0 =	vld.idx.msk [tilespmem:v56+s3+$0x0], $0xffff  }
0xa5: {  	[tilespmem:s23+$0x1B4C0] =	vst v2;
	v1 =	vld.idx.msk [tilespmem:v57+s3+$0x0], $0xffff  }
0xa6: {  	[tilespmem:s23+$0x1B540] =	vst v3;
	v2 =	vld.idx.msk [tilespmem:v58+s3+$0x0], $0xffff  }
0xa7: {  	v3 =	vld.idx.msk [tilespmem:v59+s3+$0x0], $0xffff;
	_ =	sdelay $0x1  }
0xa8: {  	[tilespmem:s23+$0x1B3D0] =	vst v0  }
0xa9: {  	[tilespmem:s23+$0x1B450] =	vst v1;
	v0 =	vld.idx.msk [tilespmem:v60+s3+$0x0], $0xffff  }
0xaa: {  	[tilespmem:s23+$0x1B4D0] =	vst v2;
	v1 =	vld.idx.msk [tilespmem:v61+s3+$0x0], $0xffff  }
0xab: {  	[tilespmem:s23+$0x1B550] =	vst v3;
	v2 =	vld.idx.msk [tilespmem:v62+s3+$0x0], $0xffff  }
0xac: {  	p3 =	por p2, p2;
	v3 =	vld.idx.msk [tilespmem:v63+s3+$0x0], $0xffff  }
.Ltmp2:
0xad: {  	_ = 	snop;
	(pc) =	sbr.rel @p3 .LBB2_3-.Ltmp2, $4  }
0xae: {  	[tilespmem:s23+$0x1B3E0] =	vst v0  }
0xaf: {  	[tilespmem:s23+$0x1B460] =	vst v1  }
0xb0: {  	[tilespmem:s23+$0x1B4E0] =	vst v2  }
0xb1: {  	p2 =	por $0x0, $0x0;
	[tilespmem:s23+$0x1B560] =	vst v3;
	s23 =	simm.s32 $0x200  }
0xb2: {  	p2 =	sne.s32 s22, $0x18  }
.Ltmp3:
0xb3: {  	_ = 	snop;
	(pc) =	sbr.rel @p2 .LBB2_6-.Ltmp3, $4  }
0xb4: {  	_ = 	snop  }
0xb5: {  	s23 =	sshll.u32 s22, $0xE  }
0xb6: {  	s24 =	sadd.s32 s23, s6  }
0xb7: {  	[hbm4b:s24+s3] =	stream.linear.scatter [tilespmem:s16], [sflag:$0x4], $0x800, $0x38;
	[tilespmem:$0x1BF70] =	vst v63  }
.Ltmp4:
0xb8: {  	(pc) =	sbr.rel .LBB2_7-.Ltmp4, $4  }
0xb9: {  	_ = 	snop  }
0xba: {  	_ =	swait.ge [sflag:s17], $0x800  }
0xbb: {  	[sflag:s17] =	ssyncset.done $0x0  }
0xbc: {  	[sflag:s17] =	ssyncadd.s32 $0xFFFFF800  }
.LBB2_6:
.Ltmp5:
0xbd: {  	s24 =	sadd.s32 s23, s7;
	(pc) =	sbr.rel @p1 .LBB2_8-.Ltmp5, $4  }
0xbe: {  	[tilespmem:s12], [sflag:$0x2] =	stream.linear.gather [hbm4b:s24+s3], $0x800, $0x38;
	[tilespmem:$0x1BF70] =	vst v63  }
0xbf: {  	_ =	swait.ge [sflag:s17], $0x800  }
0xc0: {  	[sflag:s17] =	ssyncset.done $0x0  }
0xc1: {  	[sflag:s17] =	ssyncadd.s32 $0xFFFFF800  }
.LBB2_7:
0xc2: {  	_ =	swait.ge [sflag:s18], $0x800  }
0xc3: {  	[sflag:s18] =	ssyncset.done $0x0  }
0xc4: {  	[sflag:s18] =	ssyncadd.s32 $0xFFFFF800  }
.LBB2_8:
0xc5: {  	s24 =	simm.s32 $0x0;
	p1 =	por $0x1, $0x1  }
.LBB2_9:
0xc6: {  	v0 =	vld [tilespmem:s24+$0x1A770]  }
0xc7: {  	v1 =	vld [tilespmem:s24+$0x1A7F0]  }
0xc8: {  	v2 =	vld [tilespmem:s24+$0x1A870]  }
0xc9: {  	v3 =	vld [tilespmem:s24+$0x1A8F0]  }
0xca: {  	v62 =	vld [tilespmem:s24+$0x1A780]  }
0xcb: {  	v63 =	vld [tilespmem:s24+$0x1A800]  }
0xcc: {  	v6 =	vld [tilespmem:s24+$0x1A880]  }
0xcd: {  	v7 =	vld [tilespmem:s24+$0x1A900]  }
0xce: {  	v8 =	vld [tilespmem:s24+$0x1A790]  }
0xcf: {  	v9 =	vld [tilespmem:s24+$0x1A810]  }
0xd0: {  	v10 =	vld [tilespmem:s24+$0x1A890]  }
0xd1: {  	v11 =	vld [tilespmem:s24+$0x1A910]  }
0xd2: {  	v12 =	vld [tilespmem:s24+$0x1A7A0]  }
0xd3: {  	v13 =	vld [tilespmem:s24+$0x1A820]  }
0xd4: {  	v14 =	vld [tilespmem:s24+$0x1A8A0]  }
0xd5: {  	v15 =	vld [tilespmem:s24+$0x1A920]  }
0xd6: {  	v16 =	vld [tilespmem:s24+$0x1A7B0]  }
0xd7: {  	v17 =	vld [tilespmem:s24+$0x1A830]  }
0xd8: {  	v18 =	vld [tilespmem:s24+$0x1A8B0]  }
0xd9: {  	v19 =	vld [tilespmem:s24+$0x1A930]  }
0xda: {  	v20 =	vld [tilespmem:s24+$0x1A7C0]  }
0xdb: {  	v21 =	vld [tilespmem:s24+$0x1A840]  }
0xdc: {  	v22 =	vld [tilespmem:s24+$0x1A8C0]  }
0xdd: {  	v23 =	vld [tilespmem:s24+$0x1A940]  }
0xde: {  	v24 =	vld [tilespmem:s24+$0x1A7D0]  }
0xdf: {  	v25 =	vld [tilespmem:s24+$0x1A850]  }
0xe0: {  	v26 =	vld [tilespmem:s24+$0x1A8D0]  }
0xe1: {  	v27 =	vld [tilespmem:s24+$0x1A950]  }
0xe2: {  	v28 =	vld [tilespmem:s24+$0x1A7E0]  }
0xe3: {  	v29 =	vld [tilespmem:s24+$0x1A860]  }
0xe4: {  	v30 =	vld [tilespmem:s24+$0x1A8E0]  }
0xe5: {  	v31 =	vld [tilespmem:s24+$0x1A960]  }
0xe6: {  	v32 =	vld [tilespmem:s24+$0x1AB70]  }
0xe7: {  	v33 =	vld [tilespmem:s24+$0x1ABF0]  }
0xe8: {  	v34 =	vld [tilespmem:s24+$0x1AC70]  }
0xe9: {  	v35 =	vld [tilespmem:s24+$0x1ACF0]  }
0xea: {  	v0 =	vld.idx.msk [tilespmem:v0+s3+$0x0], $0xffff  }
0xeb: {  	v1 =	vld.idx.msk [tilespmem:v1+s3+$0x0], $0xffff  }
0xec: {  	v2 =	vld.idx.msk [tilespmem:v2+s3+$0x0], $0xffff  }
0xed: {  	v3 =	vld.idx.msk [tilespmem:v3+s3+$0x0], $0xffff  }
0xee: {  	v36 =	vld [tilespmem:s24+$0x1AB80]  }
0xef: {  	v37 =	vld [tilespmem:s24+$0x1AC00];
	[tilespmem:s24+$0x1B770] =	vst v0  }
0xf0: {  	[tilespmem:s24+$0x1B7F0] =	vst v1;
	v0 =	vld.idx.msk [tilespmem:v62+s3+$0x0], $0xffff  }
0xf1: {  	[tilespmem:s24+$0x1B870] =	vst v2;
	v1 =	vld.idx.msk [tilespmem:v63+s3+$0x0], $0xffff  }
0xf2: {  	[tilespmem:s24+$0x1B8F0] =	vst v3;
	v2 =	vld.idx.msk [tilespmem:v6+s3+$0x0], $0xffff  }
0xf3: {  	v3 =	vld.idx.msk [tilespmem:v7+s3+$0x0], $0xffff  }
0xf4: {  	v38 =	vld [tilespmem:s24+$0x1AC80]  }
0xf5: {  	v39 =	vld [tilespmem:s24+$0x1AD00];
	[tilespmem:s24+$0x1B780] =	vst v0  }
0xf6: {  	[tilespmem:s24+$0x1B800] =	vst v1;
	v0 =	vld.idx.msk [tilespmem:v8+s3+$0x0], $0xffff  }
0xf7: {  	[tilespmem:s24+$0x1B880] =	vst v2;
	v1 =	vld.idx.msk [tilespmem:v9+s3+$0x0], $0xffff  }
0xf8: {  	[tilespmem:s24+$0x1B900] =	vst v3;
	v2 =	vld.idx.msk [tilespmem:v10+s3+$0x0], $0xffff  }
0xf9: {  	v3 =	vld.idx.msk [tilespmem:v11+s3+$0x0], $0xffff  }
0xfa: {  	v40 =	vld [tilespmem:s24+$0x1AB90]  }
0xfb: {  	v41 =	vld [tilespmem:s24+$0x1AC10];
	[tilespmem:s24+$0x1B790] =	vst v0  }
0xfc: {  	[tilespmem:s24+$0x1B810] =	vst v1;
	v0 =	vld.idx.msk [tilespmem:v12+s3+$0x0], $0xffff  }
0xfd: {  	[tilespmem:s24+$0x1B890] =	vst v2;
	v1 =	vld.idx.msk [tilespmem:v13+s3+$0x0], $0xffff  }
0xfe: {  	[tilespmem:s24+$0x1B910] =	vst v3;
	v2 =	vld.idx.msk [tilespmem:v14+s3+$0x0], $0xffff  }
0xff: {  	v3 =	vld.idx.msk [tilespmem:v15+s3+$0x0], $0xffff  }
0x100: {  	v42 =	vld [tilespmem:s24+$0x1AC90]  }
0x101: {  	v43 =	vld [tilespmem:s24+$0x1AD10];
	[tilespmem:s24+$0x1B7A0] =	vst v0  }
0x102: {  	[tilespmem:s24+$0x1B820] =	vst v1;
	v0 =	vld.idx.msk [tilespmem:v16+s3+$0x0], $0xffff  }
0x103: {  	[tilespmem:s24+$0x1B8A0] =	vst v2;
	v1 =	vld.idx.msk [tilespmem:v17+s3+$0x0], $0xffff  }
0x104: {  	[tilespmem:s24+$0x1B920] =	vst v3;
	v2 =	vld.idx.msk [tilespmem:v18+s3+$0x0], $0xffff  }
0x105: {  	v3 =	vld.idx.msk [tilespmem:v19+s3+$0x0], $0xffff  }
0x106: {  	v44 =	vld [tilespmem:s24+$0x1ABA0]  }
0x107: {  	v45 =	vld [tilespmem:s24+$0x1AC20];
	[tilespmem:s24+$0x1B7B0] =	vst v0  }
0x108: {  	[tilespmem:s24+$0x1B830] =	vst v1;
	v0 =	vld.idx.msk [tilespmem:v20+s3+$0x0], $0xffff  }
0x109: {  	[tilespmem:s24+$0x1B8B0] =	vst v2;
	v1 =	vld.idx.msk [tilespmem:v21+s3+$0x0], $0xffff  }
0x10a: {  	[tilespmem:s24+$0x1B930] =	vst v3;
	v2 =	vld.idx.msk [tilespmem:v22+s3+$0x0], $0xffff  }
0x10b: {  	v3 =	vld.idx.msk [tilespmem:v23+s3+$0x0], $0xffff  }
0x10c: {  	v46 =	vld [tilespmem:s24+$0x1ACA0]  }
0x10d: {  	v47 =	vld [tilespmem:s24+$0x1AD20];
	[tilespmem:s24+$0x1B7C0] =	vst v0  }
0x10e: {  	[tilespmem:s24+$0x1B840] =	vst v1;
	v0 =	vld.idx.msk [tilespmem:v24+s3+$0x0], $0xffff  }
0x10f: {  	[tilespmem:s24+$0x1B8C0] =	vst v2;
	v1 =	vld.idx.msk [tilespmem:v25+s3+$0x0], $0xffff  }
0x110: {  	[tilespmem:s24+$0x1B940] =	vst v3;
	v2 =	vld.idx.msk [tilespmem:v26+s3+$0x0], $0xffff  }
0x111: {  	v3 =	vld.idx.msk [tilespmem:v27+s3+$0x0], $0xffff  }
0x112: {  	v48 =	vld [tilespmem:s24+$0x1ABB0]  }
0x113: {  	v49 =	vld [tilespmem:s24+$0x1AC30];
	[tilespmem:s24+$0x1B7D0] =	vst v0  }
0x114: {  	[tilespmem:s24+$0x1B850] =	vst v1;
	v0 =	vld.idx.msk [tilespmem:v28+s3+$0x0], $0xffff  }
0x115: {  	[tilespmem:s24+$0x1B8D0] =	vst v2;
	v1 =	vld.idx.msk [tilespmem:v29+s3+$0x0], $0xffff  }
0x116: {  	[tilespmem:s24+$0x1B950] =	vst v3;
	v2 =	vld.idx.msk [tilespmem:v30+s3+$0x0], $0xffff  }
0x117: {  	v3 =	vld.idx.msk [tilespmem:v31+s3+$0x0], $0xffff  }
0x118: {  	v50 =	vld [tilespmem:s24+$0x1ACB0]  }
0x119: {  	v51 =	vld [tilespmem:s24+$0x1AD30];
	[tilespmem:s24+$0x1B7E0] =	vst v0  }
0x11a: {  	[tilespmem:s24+$0x1B860] =	vst v1;
	v0 =	vld.idx.msk [tilespmem:v32+s3+$0x0], $0xffff  }
0x11b: {  	[tilespmem:s24+$0x1B8E0] =	vst v2;
	v1 =	vld.idx.msk [tilespmem:v33+s3+$0x0], $0xffff  }
0x11c: {  	[tilespmem:s24+$0x1B960] =	vst v3;
	v2 =	vld.idx.msk [tilespmem:v34+s3+$0x0], $0xffff  }
0x11d: {  	v3 =	vld.idx.msk [tilespmem:v35+s3+$0x0], $0xffff  }
0x11e: {  	v52 =	vld [tilespmem:s24+$0x1ABC0]  }
0x11f: {  	v53 =	vld [tilespmem:s24+$0x1AC40];
	[tilespmem:s24+$0x1BB70] =	vst v0  }
0x120: {  	[tilespmem:s24+$0x1BBF0] =	vst v1;
	v0 =	vld.idx.msk [tilespmem:v36+s3+$0x0], $0xffff  }
0x121: {  	[tilespmem:s24+$0x1BC70] =	vst v2;
	v1 =	vld.idx.msk [tilespmem:v37+s3+$0x0], $0xffff  }
0x122: {  	[tilespmem:s24+$0x1BCF0] =	vst v3;
	v2 =	vld.idx.msk [tilespmem:v38+s3+$0x0], $0xffff  }
0x123: {  	v3 =	vld.idx.msk [tilespmem:v39+s3+$0x0], $0xffff  }
0x124: {  	v54 =	vld [tilespmem:s24+$0x1ACC0]  }
0x125: {  	v55 =	vld [tilespmem:s24+$0x1AD40];
	[tilespmem:s24+$0x1BB80] =	vst v0  }
0x126: {  	[tilespmem:s24+$0x1BC00] =	vst v1;
	v0 =	vld.idx.msk [tilespmem:v40+s3+$0x0], $0xffff  }
0x127: {  	[tilespmem:s24+$0x1BC80] =	vst v2;
	v1 =	vld.idx.msk [tilespmem:v41+s3+$0x0], $0xffff  }
0x128: {  	[tilespmem:s24+$0x1BD00] =	vst v3;
	v2 =	vld.idx.msk [tilespmem:v42+s3+$0x0], $0xffff  }
0x129: {  	v3 =	vld.idx.msk [tilespmem:v43+s3+$0x0], $0xffff  }
0x12a: {  	v56 =	vld [tilespmem:s24+$0x1ABD0]  }
0x12b: {  	v57 =	vld [tilespmem:s24+$0x1AC50];
	[tilespmem:s24+$0x1BB90] =	vst v0  }
0x12c: {  	[tilespmem:s24+$0x1BC10] =	vst v1;
	v0 =	vld.idx.msk [tilespmem:v44+s3+$0x0], $0xffff  }
0x12d: {  	[tilespmem:s24+$0x1BC90] =	vst v2;
	v1 =	vld.idx.msk [tilespmem:v45+s3+$0x0], $0xffff  }
0x12e: {  	[tilespmem:s24+$0x1BD10] =	vst v3;
	v2 =	vld.idx.msk [tilespmem:v46+s3+$0x0], $0xffff  }
0x12f: {  	v3 =	vld.idx.msk [tilespmem:v47+s3+$0x0], $0xffff  }
0x130: {  	v58 =	vld [tilespmem:s24+$0x1ACD0]  }
0x131: {  	v59 =	vld [tilespmem:s24+$0x1AD50];
	[tilespmem:s24+$0x1BBA0] =	vst v0  }
0x132: {  	[tilespmem:s24+$0x1BC20] =	vst v1;
	v0 =	vld.idx.msk [tilespmem:v48+s3+$0x0], $0xffff  }
0x133: {  	[tilespmem:s24+$0x1BCA0] =	vst v2;
	v1 =	vld.idx.msk [tilespmem:v49+s3+$0x0], $0xffff  }
0x134: {  	[tilespmem:s24+$0x1BD20] =	vst v3;
	v2 =	vld.idx.msk [tilespmem:v50+s3+$0x0], $0xffff  }
0x135: {  	v3 =	vld.idx.msk [tilespmem:v51+s3+$0x0], $0xffff  }
0x136: {  	v60 =	vld [tilespmem:s24+$0x1ABE0]  }
0x137: {  	v61 =	vld [tilespmem:s24+$0x1AC60];
	[tilespmem:s24+$0x1BBB0] =	vst v0  }
0x138: {  	[tilespmem:s24+$0x1BC30] =	vst v1;
	v0 =	vld.idx.msk [tilespmem:v52+s3+$0x0], $0xffff  }
0x139: {  	[tilespmem:s24+$0x1BCB0] =	vst v2;
	v1 =	vld.idx.msk [tilespmem:v53+s3+$0x0], $0xffff  }
0x13a: {  	[tilespmem:s24+$0x1BD30] =	vst v3;
	v2 =	vld.idx.msk [tilespmem:v54+s3+$0x0], $0xffff  }
0x13b: {  	v3 =	vld.idx.msk [tilespmem:v55+s3+$0x0], $0xffff  }
0x13c: {  	v62 =	vld [tilespmem:s24+$0x1ACE0]  }
0x13d: {  	v63 =	vld [tilespmem:s24+$0x1AD60];
	[tilespmem:s24+$0x1BBC0] =	vst v0  }
0x13e: {  	[tilespmem:s24+$0x1BC40] =	vst v1;
	v0 =	vld.idx.msk [tilespmem:v56+s3+$0x0], $0xffff  }
0x13f: {  	[tilespmem:s24+$0x1BCC0] =	vst v2;
	v1 =	vld.idx.msk [tilespmem:v57+s3+$0x0], $0xffff  }
0x140: {  	[tilespmem:s24+$0x1BD40] =	vst v3;
	v2 =	vld.idx.msk [tilespmem:v58+s3+$0x0], $0xffff  }
0x141: {  	v3 =	vld.idx.msk [tilespmem:v59+s3+$0x0], $0xffff;
	_ =	sdelay $0x1  }
0x142: {  	[tilespmem:s24+$0x1BBD0] =	vst v0  }
0x143: {  	[tilespmem:s24+$0x1BC50] =	vst v1;
	v0 =	vld.idx.msk [tilespmem:v60+s3+$0x0], $0xffff  }
0x144: {  	[tilespmem:s24+$0x1BCD0] =	vst v2;
	v1 =	vld.idx.msk [tilespmem:v61+s3+$0x0], $0xffff  }
0x145: {  	[tilespmem:s24+$0x1BD50] =	vst v3;
	v2 =	vld.idx.msk [tilespmem:v62+s3+$0x0], $0xffff  }
0x146: {  	p2 =	por p1, p1;
	v3 =	vld.idx.msk [tilespmem:v63+s3+$0x0], $0xffff  }
.Ltmp6:
0x147: {  	_ = 	snop;
	(pc) =	sbr.rel @p2 .LBB2_9-.Ltmp6, $4  }
0x148: {  	[tilespmem:s24+$0x1BBE0] =	vst v0  }
0x149: {  	[tilespmem:s24+$0x1BC60] =	vst v1  }
0x14a: {  	[tilespmem:s24+$0x1BCE0] =	vst v2  }
0x14b: {  	p1 =	por $0x0, $0x0;
	[tilespmem:s24+$0x1BD60] =	vst v3;
	s24 =	simm.s32 $0x200  }
0x14c: {  	p1 =	seq.s32 s22, $0x18  }
.Ltmp7:
0x14d: {  	_ = 	snop;
	(pc) =	sbr.rel @p1 .LBB2_12-.Ltmp7, $3  }
0x14e: {  	_ =	sdelay $0x1  }
0x14f: {  	s24 =	sadd.s32 s23, s8  }
0x150: {  	[hbm4b:s24+s3] =	stream.linear.scatter [tilespmem:s19], [sflag:$0x5], $0x800, $0x38;
	[tilespmem:$0x1BF70] =	vst v63  }
.Ltmp8:
0x151: {  	(pc) =	sbr.rel .LBB2_2-.Ltmp8, $3  }
0x152: {  	_ =	sdelay $0x1  }
0x153: {  	s23 =	sadd.s32 s23, s9;
	s22 =	sadd.s32 $0x1, s22  }
0x154: {  	[tilespmem:s13], [sflag:$0x3] =	stream.linear.gather [hbm4b:s23+s3], $0x800, $0x38;
	[tilespmem:$0x1BF70] =	vst v63  }
.LBB2_13:
0x155: {  	_ =	sfence.sel $0x180000  }
0x156: {  	[bflag:$0x0] =	sbarrier.arrive $0xFFFF  }
0x157: {  	_ =	strace $0x90000047  }
0x158: {  	s0 =	sadd.s32 @!p0 $0x100000, s0;
	[bflag:$0x2] =	sbarrier.arrive $0xFFFF  }
0x159: {  	[sflag:s0] =	ssyncadd.tile.s32 @!p0 $0x1;
	_ =	shalt  }
.Lfunc_end2:
_tile_overlayer_lowered:
.L_overlay_start_2:
0x15a: {  	(tag) =	ssettag $0x2  }
0x15b: {  	s0 =	rddreg [dreg:$0x0];
	s2 =	stileid.u32  }
0x15c: {  	s1 =	rddreg [dreg:$0x1];
	p0 =	sne.s32 s2, $0x0  }
0x15d: {  	s3 =	rddreg [dreg:$0x2];
	[bflag:$0x3] =	sbarrier.arrive $0xFFFF;
	s2 =	simm.s32 @!p0 $0x1C06  }
0x15e: {  	[timem:s3], [sflag:s2] =	dma.local @!p0 [hbm:s0], s1  }
0x15f: {  	s0 =	simm.s32 @!p0 $0x6  }
0x160: {  	_ =	swait.ge @!p0 [sflag:s0], s1  }
0x161: {  	s1 =	ssub.s32 @!p0 $0x0, s1;
	[sflag:s0] =	ssyncset.done @!p0 $0x0  }
0x162: {  	[sflag:s0] =	ssyncadd.s32 @!p0 s1  }
0x163: {  	[bflag:$0x3] =	sbarrier.arrive $0xFFFF  }
0x164: {  	_ =	shalt  }

</sc_bundles>
